<compile_context>
chip_gen: v7x
topology: tpu7x:2x2x1
jax: 0.10.2.dev20260603
libtpu: 0.0.44.dev20260713+nightly
codegen_flags: <defaults>
</compile_context>

<pallas_src>
import functools

import jax
import jax.numpy as jnp
from jax import lax
from jax.experimental import pallas as pl
from jax.experimental.pallas import tpu as pltpu
from jax.experimental.pallas import tpu_sc as plsc

VOCAB = 100000
D = 128

NC = 2
NS = 16
NW = NC * NS

B_SEQ = 1024
L_SEQ = 200
N_TOK = B_SEQ * L_SEQ
N_PER_W = N_TOK // NW
CHUNK = 32
NCHUNK = N_PER_W // CHUNK


def _make_gather():
    mesh = plsc.VectorSubcoreMesh(core_axis_name="c", subcore_axis_name="s")

    NBUF = 10
    assert NCHUNK % NBUF == 0

    @functools.partial(
        pl.kernel,
        out_type=jax.ShapeDtypeStruct((NW, NCHUNK, CHUNK, D), jnp.float32),
        mesh=mesh,
        scratch_types=[
            pltpu.VMEM((NCHUNK, CHUNK), jnp.int32),
            [pltpu.VMEM((CHUNK, D), jnp.float32)] * NBUF,
            [pltpu.SemaphoreType.DMA] * NBUF,
            [pltpu.SemaphoreType.DMA] * NBUF,
        ],
    )
    def gather_kernel(idx_hbm, table_hbm, out_hbm, idx_v, rows, gs, os):
        wid = lax.axis_index("s") * NC + lax.axis_index("c")
        pltpu.sync_copy(idx_hbm.at[wid], idx_v)

        def wait_gather(b):
            pltpu.make_async_copy(
                table_hbm.at[idx_v.at[0]], rows[b], gs[b]).wait()

        def wait_out(b):
            pltpu.make_async_copy(rows[b], out_hbm.at[wid, 0], os[b]).wait()

        for b in range(NBUF):
            pltpu.async_copy(table_hbm.at[idx_v.at[b]], rows[b], gs[b])

        @pl.loop(0, NCHUNK - NBUF, step=NBUF)
        def body(j):
            for b in range(NBUF):
                wait_gather(b)
                pltpu.async_copy(rows[b], out_hbm.at[wid, j + b], os[b])
            for b in range(NBUF):
                wait_out(b)
                pltpu.async_copy(
                    table_hbm.at[idx_v.at[j + b + NBUF]], rows[b], gs[b])

        for b in range(NBUF):
            wait_gather(b)
            pltpu.async_copy(
                rows[b], out_hbm.at[wid, NCHUNK - NBUF + b], os[b])
        for b in range(NBUF):
            wait_out(b)

    return gather_kernel


_gather = _make_gather()


@jax.jit
def kernel(token_ids, table):
    idx = token_ids.astype(jnp.int32).reshape(NW, NCHUNK, CHUNK)
    out = _gather(idx, table)
    return out.reshape(B_SEQ, L_SEQ, D)

# --- scband reference (transcript-rebuilt; emitter-appended) ---
"""Pipeline reference for scband-glove-branch-31731218382908 (READ-ONLY COPY).

The authoritative reference and input builder live on the scoring server;
editing this copy changes nothing except your own understanding.
"""

import jax, jax.numpy as jnp
import numpy as np

VOCAB = 100000
EMBED_DIM = 128


def setup_inputs(seed: int = 0) -> dict:
    key = jax.random.key(seed)
    k_ids, k_tab = jax.random.split(key)
    token_ids = jax.random.randint(k_ids, (1024, 200), 0, VOCAB, dtype=jnp.int64)
    table = jax.random.normal(k_tab, (VOCAB, EMBED_DIM), dtype=jnp.float32) * 0.02
    # padding_idx=0 -> row 0 is zeros
    table = table.at[0].set(0.0)
    return {"token_ids": token_ids, "table": table}


def reference(token_ids, table):
    # nn.Embedding lookup (gather rows). Dropout is identity in eval mode.
    emb = jnp.take(table, token_ids, axis=0)  # [B, L, D]
    return emb

if __name__ == "__main__":
    import jax
    _d = setup_inputs()
    print(jax.jit(kernel)(*tuple(_d.values())))

</pallas_src>

<mosaic_0001>
#map = affine_map<(d0, d1) -> (0, 0, 0)>
#map1 = affine_map<(d0, d1) -> (0, 0)>
#map2 = affine_map<(d0, d1) -> (0, 0, 0, 0)>
module attributes {stable_mosaic.version = 14 : i64} {
  func.func @gather_kernel(%arg0: i32, %arg1: i32, %arg2: memref<32x200x32xi32, #tpu.memory_space<hbm>>, %arg3: memref<100000x128xf32, #tpu.memory_space<hbm>>, %arg4: memref<32x200x32x128xf32, #tpu.memory_space<hbm>>, %arg5: memref<200x32xi32, #tpu.memory_space<vmem>>, %arg6: memref<32x128xf32, #tpu.memory_space<vmem>>, %arg7: memref<32x128xf32, #tpu.memory_space<vmem>>, %arg8: memref<32x128xf32, #tpu.memory_space<vmem>>, %arg9: memref<32x128xf32, #tpu.memory_space<vmem>>, %arg10: memref<32x128xf32, #tpu.memory_space<vmem>>, %arg11: memref<32x128xf32, #tpu.memory_space<vmem>>, %arg12: memref<32x128xf32, #tpu.memory_space<vmem>>, %arg13: memref<32x128xf32, #tpu.memory_space<vmem>>, %arg14: memref<32x128xf32, #tpu.memory_space<vmem>>, %arg15: memref<32x128xf32, #tpu.memory_space<vmem>>, %arg16: memref<!tpu.dma_semaphore, #tpu.memory_space<semaphore_mem>>, %arg17: memref<!tpu.dma_semaphore, #tpu.memory_space<semaphore_mem>>, %arg18: memref<!tpu.dma_semaphore, #tpu.memory_space<semaphore_mem>>, %arg19: memref<!tpu.dma_semaphore, #tpu.memory_space<semaphore_mem>>, %arg20: memref<!tpu.dma_semaphore, #tpu.memory_space<semaphore_mem>>, %arg21: memref<!tpu.dma_semaphore, #tpu.memory_space<semaphore_mem>>, %arg22: memref<!tpu.dma_semaphore, #tpu.memory_space<semaphore_mem>>, %arg23: memref<!tpu.dma_semaphore, #tpu.memory_space<semaphore_mem>>, %arg24: memref<!tpu.dma_semaphore, #tpu.memory_space<semaphore_mem>>, %arg25: memref<!tpu.dma_semaphore, #tpu.memory_space<semaphore_mem>>, %arg26: memref<!tpu.dma_semaphore, #tpu.memory_space<semaphore_mem>>, %arg27: memref<!tpu.dma_semaphore, #tpu.memory_space<semaphore_mem>>, %arg28: memref<!tpu.dma_semaphore, #tpu.memory_space<semaphore_mem>>, %arg29: memref<!tpu.dma_semaphore, #tpu.memory_space<semaphore_mem>>, %arg30: memref<!tpu.dma_semaphore, #tpu.memory_space<semaphore_mem>>, %arg31: memref<!tpu.dma_semaphore, #tpu.memory_space<semaphore_mem>>, %arg32: memref<!tpu.dma_semaphore, #tpu.memory_space<semaphore_mem>>, %arg33: memref<!tpu.dma_semaphore, #tpu.memory_space<semaphore_mem>>, %arg34: memref<!tpu.dma_semaphore, #tpu.memory_space<semaphore_mem>>, %arg35: memref<!tpu.dma_semaphore, #tpu.memory_space<semaphore_mem>>) attributes {dimension_semantics = [#tpu.dimension_semantics<core_parallel>, #tpu.dimension_semantics<subcore_parallel>], iteration_bounds = array<i64: 2, 16>, scalar_prefetch = 0 : i64, scratch_operands = 31 : i64, tpu.core_type = #tpu.core_type<sc_vector_subcore>, window_params = [{transform_indices = #map}, {transform_indices = #map1}, {transform_indices = #map2}]} {
    %mul3A = arith.constant 2 : i32
    %mul3A_0 = arith.muli %arg1, %mul3A : i32
    %add3A = arith.addi %mul3A_0, %arg0 : i32
    "tpu.region"() ({
      %run_scoped3A = tpu.sem_alloc : memref<!tpu.dma_semaphore, #tpu.memory_space<semaphore_mem>>
      %dma_start3A_323 = arith.constant 0 : i32
      %dma_start3A_324 = arith.constant 0 : i32
      %dma_start3A_325 = tpu.memref_slice %arg2[%add3A, %dma_start3A_323, %dma_start3A_324] : memref<32x200x32xi32, #tpu.memory_space<hbm>> -> memref<1x200x32xi32, #tpu.memory_space<hbm>>
      %dma_start3A_326 = tpu.memref_squeeze %dma_start3A_325 : memref<1x200x32xi32, #tpu.memory_space<hbm>> -> memref<200x32xi32, #tpu.memory_space<hbm>>
      %dma_start3A_327 = arith.constant 0 : i32
      %dma_start3A_328 = arith.constant 0 : i32
      %dma_start3A_329 = tpu.memref_slice %arg2[%add3A, %dma_start3A_327, %dma_start3A_328] : memref<32x200x32xi32, #tpu.memory_space<hbm>> -> memref<1x200x32xi32, #tpu.memory_space<hbm>>
      %dma_start3A_330 = tpu.memref_squeeze %dma_start3A_329 : memref<1x200x32xi32, #tpu.memory_space<hbm>> -> memref<200x32xi32, #tpu.memory_space<hbm>>
      tpu.enqueue_dma source(%dma_start3A_330 : memref<200x32xi32, #tpu.memory_space<hbm>>) target(%arg5 : memref<200x32xi32, #tpu.memory_space<vmem>>) target_semaphore(%run_scoped3A : memref<!tpu.dma_semaphore, #tpu.memory_space<semaphore_mem>>)
      %dma_wait3A_331 = arith.constant 0 : i32
      %dma_wait3A_332 = arith.constant 0 : i32
      %dma_wait3A_333 = tpu.memref_slice %arg2[%add3A, %dma_wait3A_331, %dma_wait3A_332] : memref<32x200x32xi32, #tpu.memory_space<hbm>> -> memref<1x200x32xi32, #tpu.memory_space<hbm>>
      %dma_wait3A_334 = tpu.memref_squeeze %dma_wait3A_333 : memref<1x200x32xi32, #tpu.memory_space<hbm>> -> memref<200x32xi32, #tpu.memory_space<hbm>>
      %dma_wait3A_335 = arith.constant 0 : i32
      %dma_wait3A_336 = arith.constant 0 : i32
      %dma_wait3A_337 = tpu.memref_slice %arg2[%add3A, %dma_wait3A_335, %dma_wait3A_336] : memref<32x200x32xi32, #tpu.memory_space<hbm>> -> memref<1x200x32xi32, #tpu.memory_space<hbm>>
      %dma_wait3A_338 = tpu.memref_squeeze %dma_wait3A_337 : memref<1x200x32xi32, #tpu.memory_space<hbm>> -> memref<200x32xi32, #tpu.memory_space<hbm>>
      tpu.wait_dma2 semaphore(%run_scoped3A : memref<!tpu.dma_semaphore, #tpu.memory_space<semaphore_mem>>) src(%dma_wait3A_338 : memref<200x32xi32, #tpu.memory_space<hbm>>) dst(%arg5 : memref<200x32xi32, #tpu.memory_space<vmem>>)
      tpu.yield
    }) : () -> ()
    %dma_start3A = arith.constant 0 : i32
    %dma_start3A_1 = arith.constant 0 : i32
    %dma_start3A_2 = tpu.memref_slice %arg5[%dma_start3A, %dma_start3A_1] : memref<200x32xi32, #tpu.memory_space<vmem>> -> memref<1x32xi32, #tpu.memory_space<vmem>>
    %dma_start3A_3 = tpu.memref_squeeze %dma_start3A_2 : memref<1x32xi32, #tpu.memory_space<vmem>> -> memref<32xi32, #tpu.memory_space<vmem>>
    %dma_start3A_4 = arith.constant 0 : i32
    %dma_start3A_5 = arith.constant 0 : i32
    %dma_start3A_6 = tpu.memref_slice %arg3[%dma_start3A_4, %dma_start3A_5] : memref<100000x128xf32, #tpu.memory_space<hbm>> -> memref<100000x128xf32, #tpu.memory_space<hbm>>
    tpu.enqueue_indirect_dma source(%dma_start3A_6 : memref<100000x128xf32, #tpu.memory_space<hbm>>) target(%arg6 : memref<32x128xf32, #tpu.memory_space<vmem>>) offsets(%dma_start3A_3 : memref<32xi32, #tpu.memory_space<vmem>>) semaphore(%arg16 : memref<!tpu.dma_semaphore, #tpu.memory_space<semaphore_mem>>)
    %dma_start3A_7 = arith.constant 1 : i32
    %dma_start3A_8 = arith.constant 0 : i32
    %dma_start3A_9 = tpu.memref_slice %arg5[%dma_start3A_7, %dma_start3A_8] : memref<200x32xi32, #tpu.memory_space<vmem>> -> memref<1x32xi32, #tpu.memory_space<vmem>>
    %dma_start3A_10 = tpu.memref_squeeze %dma_start3A_9 : memref<1x32xi32, #tpu.memory_space<vmem>> -> memref<32xi32, #tpu.memory_space<vmem>>
    %dma_start3A_11 = arith.constant 0 : i32
    %dma_start3A_12 = arith.constant 0 : i32
    %dma_start3A_13 = tpu.memref_slice %arg3[%dma_start3A_11, %dma_start3A_12] : memref<100000x128xf32, #tpu.memory_space<hbm>> -> memref<100000x128xf32, #tpu.memory_space<hbm>>
    tpu.enqueue_indirect_dma source(%dma_start3A_13 : memref<100000x128xf32, #tpu.memory_space<hbm>>) target(%arg7 : memref<32x128xf32, #tpu.memory_space<vmem>>) offsets(%dma_start3A_10 : memref<32xi32, #tpu.memory_space<vmem>>) semaphore(%arg17 : memref<!tpu.dma_semaphore, #tpu.memory_space<semaphore_mem>>)
    %dma_start3A_14 = arith.constant 2 : i32
    %dma_start3A_15 = arith.constant 0 : i32
    %dma_start3A_16 = tpu.memref_slice %arg5[%dma_start3A_14, %dma_start3A_15] : memref<200x32xi32, #tpu.memory_space<vmem>> -> memref<1x32xi32, #tpu.memory_space<vmem>>
    %dma_start3A_17 = tpu.memref_squeeze %dma_start3A_16 : memref<1x32xi32, #tpu.memory_space<vmem>> -> memref<32xi32, #tpu.memory_space<vmem>>
    %dma_start3A_18 = arith.constant 0 : i32
    %dma_start3A_19 = arith.constant 0 : i32
    %dma_start3A_20 = tpu.memref_slice %arg3[%dma_start3A_18, %dma_start3A_19] : memref<100000x128xf32, #tpu.memory_space<hbm>> -> memref<100000x128xf32, #tpu.memory_space<hbm>>
    tpu.enqueue_indirect_dma source(%dma_start3A_20 : memref<100000x128xf32, #tpu.memory_space<hbm>>) target(%arg8 : memref<32x128xf32, #tpu.memory_space<vmem>>) offsets(%dma_start3A_17 : memref<32xi32, #tpu.memory_space<vmem>>) semaphore(%arg18 : memref<!tpu.dma_semaphore, #tpu.memory_space<semaphore_mem>>)
    %dma_start3A_21 = arith.constant 3 : i32
    %dma_start3A_22 = arith.constant 0 : i32
    %dma_start3A_23 = tpu.memref_slice %arg5[%dma_start3A_21, %dma_start3A_22] : memref<200x32xi32, #tpu.memory_space<vmem>> -> memref<1x32xi32, #tpu.memory_space<vmem>>
    %dma_start3A_24 = tpu.memref_squeeze %dma_start3A_23 : memref<1x32xi32, #tpu.memory_space<vmem>> -> memref<32xi32, #tpu.memory_space<vmem>>
    %dma_start3A_25 = arith.constant 0 : i32
    %dma_start3A_26 = arith.constant 0 : i32
    %dma_start3A_27 = tpu.memref_slice %arg3[%dma_start3A_25, %dma_start3A_26] : memref<100000x128xf32, #tpu.memory_space<hbm>> -> memref<100000x128xf32, #tpu.memory_space<hbm>>
    tpu.enqueue_indirect_dma source(%dma_start3A_27 : memref<100000x128xf32, #tpu.memory_space<hbm>>) target(%arg9 : memref<32x128xf32, #tpu.memory_space<vmem>>) offsets(%dma_start3A_24 : memref<32xi32, #tpu.memory_space<vmem>>) semaphore(%arg19 : memref<!tpu.dma_semaphore, #tpu.memory_space<semaphore_mem>>)
    %dma_start3A_28 = arith.constant 4 : i32
    %dma_start3A_29 = arith.constant 0 : i32
    %dma_start3A_30 = tpu.memref_slice %arg5[%dma_start3A_28, %dma_start3A_29] : memref<200x32xi32, #tpu.memory_space<vmem>> -> memref<1x32xi32, #tpu.memory_space<vmem>>
    %dma_start3A_31 = tpu.memref_squeeze %dma_start3A_30 : memref<1x32xi32, #tpu.memory_space<vmem>> -> memref<32xi32, #tpu.memory_space<vmem>>
    %dma_start3A_32 = arith.constant 0 : i32
    %dma_start3A_33 = arith.constant 0 : i32
    %dma_start3A_34 = tpu.memref_slice %arg3[%dma_start3A_32, %dma_start3A_33] : memref<100000x128xf32, #tpu.memory_space<hbm>> -> memref<100000x128xf32, #tpu.memory_space<hbm>>
    tpu.enqueue_indirect_dma source(%dma_start3A_34 : memref<100000x128xf32, #tpu.memory_space<hbm>>) target(%arg10 : memref<32x128xf32, #tpu.memory_space<vmem>>) offsets(%dma_start3A_31 : memref<32xi32, #tpu.memory_space<vmem>>) semaphore(%arg20 : memref<!tpu.dma_semaphore, #tpu.memory_space<semaphore_mem>>)
    %dma_start3A_35 = arith.constant 5 : i32
    %dma_start3A_36 = arith.constant 0 : i32
    %dma_start3A_37 = tpu.memref_slice %arg5[%dma_start3A_35, %dma_start3A_36] : memref<200x32xi32, #tpu.memory_space<vmem>> -> memref<1x32xi32, #tpu.memory_space<vmem>>
    %dma_start3A_38 = tpu.memref_squeeze %dma_start3A_37 : memref<1x32xi32, #tpu.memory_space<vmem>> -> memref<32xi32, #tpu.memory_space<vmem>>
    %dma_start3A_39 = arith.constant 0 : i32
    %dma_start3A_40 = arith.constant 0 : i32
    %dma_start3A_41 = tpu.memref_slice %arg3[%dma_start3A_39, %dma_start3A_40] : memref<100000x128xf32, #tpu.memory_space<hbm>> -> memref<100000x128xf32, #tpu.memory_space<hbm>>
    tpu.enqueue_indirect_dma source(%dma_start3A_41 : memref<100000x128xf32, #tpu.memory_space<hbm>>) target(%arg11 : memref<32x128xf32, #tpu.memory_space<vmem>>) offsets(%dma_start3A_38 : memref<32xi32, #tpu.memory_space<vmem>>) semaphore(%arg21 : memref<!tpu.dma_semaphore, #tpu.memory_space<semaphore_mem>>)
    %dma_start3A_42 = arith.constant 6 : i32
    %dma_start3A_43 = arith.constant 0 : i32
    %dma_start3A_44 = tpu.memref_slice %arg5[%dma_start3A_42, %dma_start3A_43] : memref<200x32xi32, #tpu.memory_space<vmem>> -> memref<1x32xi32, #tpu.memory_space<vmem>>
    %dma_start3A_45 = tpu.memref_squeeze %dma_start3A_44 : memref<1x32xi32, #tpu.memory_space<vmem>> -> memref<32xi32, #tpu.memory_space<vmem>>
    %dma_start3A_46 = arith.constant 0 : i32
    %dma_start3A_47 = arith.constant 0 : i32
    %dma_start3A_48 = tpu.memref_slice %arg3[%dma_start3A_46, %dma_start3A_47] : memref<100000x128xf32, #tpu.memory_space<hbm>> -> memref<100000x128xf32, #tpu.memory_space<hbm>>
    tpu.enqueue_indirect_dma source(%dma_start3A_48 : memref<100000x128xf32, #tpu.memory_space<hbm>>) target(%arg12 : memref<32x128xf32, #tpu.memory_space<vmem>>) offsets(%dma_start3A_45 : memref<32xi32, #tpu.memory_space<vmem>>) semaphore(%arg22 : memref<!tpu.dma_semaphore, #tpu.memory_space<semaphore_mem>>)
    %dma_start3A_49 = arith.constant 7 : i32
    %dma_start3A_50 = arith.constant 0 : i32
    %dma_start3A_51 = tpu.memref_slice %arg5[%dma_start3A_49, %dma_start3A_50] : memref<200x32xi32, #tpu.memory_space<vmem>> -> memref<1x32xi32, #tpu.memory_space<vmem>>
    %dma_start3A_52 = tpu.memref_squeeze %dma_start3A_51 : memref<1x32xi32, #tpu.memory_space<vmem>> -> memref<32xi32, #tpu.memory_space<vmem>>
    %dma_start3A_53 = arith.constant 0 : i32
    %dma_start3A_54 = arith.constant 0 : i32
    %dma_start3A_55 = tpu.memref_slice %arg3[%dma_start3A_53, %dma_start3A_54] : memref<100000x128xf32, #tpu.memory_space<hbm>> -> memref<100000x128xf32, #tpu.memory_space<hbm>>
    tpu.enqueue_indirect_dma source(%dma_start3A_55 : memref<100000x128xf32, #tpu.memory_space<hbm>>) target(%arg13 : memref<32x128xf32, #tpu.memory_space<vmem>>) offsets(%dma_start3A_52 : memref<32xi32, #tpu.memory_space<vmem>>) semaphore(%arg23 : memref<!tpu.dma_semaphore, #tpu.memory_space<semaphore_mem>>)
    %dma_start3A_56 = arith.constant 8 : i32
    %dma_start3A_57 = arith.constant 0 : i32
    %dma_start3A_58 = tpu.memref_slice %arg5[%dma_start3A_56, %dma_start3A_57] : memref<200x32xi32, #tpu.memory_space<vmem>> -> memref<1x32xi32, #tpu.memory_space<vmem>>
    %dma_start3A_59 = tpu.memref_squeeze %dma_start3A_58 : memref<1x32xi32, #tpu.memory_space<vmem>> -> memref<32xi32, #tpu.memory_space<vmem>>
    %dma_start3A_60 = arith.constant 0 : i32
    %dma_start3A_61 = arith.constant 0 : i32
    %dma_start3A_62 = tpu.memref_slice %arg3[%dma_start3A_60, %dma_start3A_61] : memref<100000x128xf32, #tpu.memory_space<hbm>> -> memref<100000x128xf32, #tpu.memory_space<hbm>>
    tpu.enqueue_indirect_dma source(%dma_start3A_62 : memref<100000x128xf32, #tpu.memory_space<hbm>>) target(%arg14 : memref<32x128xf32, #tpu.memory_space<vmem>>) offsets(%dma_start3A_59 : memref<32xi32, #tpu.memory_space<vmem>>) semaphore(%arg24 : memref<!tpu.dma_semaphore, #tpu.memory_space<semaphore_mem>>)
    %dma_start3A_63 = arith.constant 9 : i32
    %dma_start3A_64 = arith.constant 0 : i32
    %dma_start3A_65 = tpu.memref_slice %arg5[%dma_start3A_63, %dma_start3A_64] : memref<200x32xi32, #tpu.memory_space<vmem>> -> memref<1x32xi32, #tpu.memory_space<vmem>>
    %dma_start3A_66 = tpu.memref_squeeze %dma_start3A_65 : memref<1x32xi32, #tpu.memory_space<vmem>> -> memref<32xi32, #tpu.memory_space<vmem>>
    %dma_start3A_67 = arith.constant 0 : i32
    %dma_start3A_68 = arith.constant 0 : i32
    %dma_start3A_69 = tpu.memref_slice %arg3[%dma_start3A_67, %dma_start3A_68] : memref<100000x128xf32, #tpu.memory_space<hbm>> -> memref<100000x128xf32, #tpu.memory_space<hbm>>
    tpu.enqueue_indirect_dma source(%dma_start3A_69 : memref<100000x128xf32, #tpu.memory_space<hbm>>) target(%arg15 : memref<32x128xf32, #tpu.memory_space<vmem>>) offsets(%dma_start3A_66 : memref<32xi32, #tpu.memory_space<vmem>>) semaphore(%arg25 : memref<!tpu.dma_semaphore, #tpu.memory_space<semaphore_mem>>)
    %scan3A = arith.constant 0 : i32
    %scan3A_70 = arith.constant 19 : i32
    %scan3A_71 = arith.addi %scan3A, %scan3A_70 : i32
    %scan3A_72 = arith.constant 1 : i32
    scf.for %scan3A_323 = %scan3A to %scan3A_71 step %scan3A_72  : i32 {
      %mul3A_324 = arith.constant 10 : i32
      %mul3A_325 = arith.muli %scan3A_323, %mul3A_324 : i32
      %add3A_326 = arith.constant 0 : i32
      %add3A_327 = arith.addi %add3A_326, %mul3A_325 : i32
      %dma_wait3A_328 = arith.constant 0 : i32
      %dma_wait3A_329 = arith.constant 0 : i32
      %dma_wait3A_330 = tpu.memref_slice %arg5[%dma_wait3A_328, %dma_wait3A_329] : memref<200x32xi32, #tpu.memory_space<vmem>> -> memref<1x32xi32, #tpu.memory_space<vmem>>
      %dma_wait3A_331 = tpu.memref_squeeze %dma_wait3A_330 : memref<1x32xi32, #tpu.memory_space<vmem>> -> memref<32xi32, #tpu.memory_space<vmem>>
      %dma_wait3A_332 = arith.constant 0 : i32
      %dma_wait3A_333 = arith.constant 0 : i32
      %dma_wait3A_334 = tpu.memref_slice %arg3[%dma_wait3A_332, %dma_wait3A_333] : memref<100000x128xf32, #tpu.memory_space<hbm>> -> memref<100000x128xf32, #tpu.memory_space<hbm>>
      tpu.wait_indirect_dma semaphore(%arg16 : memref<!tpu.dma_semaphore, #tpu.memory_space<semaphore_mem>>) src(%dma_wait3A_334 : memref<100000x128xf32, #tpu.memory_space<hbm>>) dst(%arg6 : memref<32x128xf32, #tpu.memory_space<vmem>>)
      %add3A_335 = arith.constant 0 : i32
      %add3A_336 = arith.addi %add3A_327, %add3A_335 : i32
      %dma_start3A_337 = arith.constant 0 : i32
      %dma_start3A_338 = arith.constant 0 : i32
      %dma_start3A_339 = tpu.memref_slice %arg4[%add3A, %add3A_336, %dma_start3A_337, %dma_start3A_338] : memref<32x200x32x128xf32, #tpu.memory_space<hbm>> -> memref<1x1x32x128xf32, #tpu.memory_space<hbm>>
      %dma_start3A_340 = tpu.memref_squeeze %dma_start3A_339 : memref<1x1x32x128xf32, #tpu.memory_space<hbm>> -> memref<32x128xf32, #tpu.memory_space<hbm>>
      %dma_start3A_341 = arith.constant 0 : i32
      %dma_start3A_342 = arith.constant 0 : i32
      %dma_start3A_343 = tpu.memref_slice %arg4[%add3A, %add3A_336, %dma_start3A_341, %dma_start3A_342] : memref<32x200x32x128xf32, #tpu.memory_space<hbm>> -> memref<1x1x32x128xf32, #tpu.memory_space<hbm>>
      %dma_start3A_344 = tpu.memref_squeeze %dma_start3A_343 : memref<1x1x32x128xf32, #tpu.memory_space<hbm>> -> memref<32x128xf32, #tpu.memory_space<hbm>>
      tpu.enqueue_dma source(%arg6 : memref<32x128xf32, #tpu.memory_space<vmem>>) target(%dma_start3A_344 : memref<32x128xf32, #tpu.memory_space<hbm>>) target_semaphore(%arg26 : memref<!tpu.dma_semaphore, #tpu.memory_space<semaphore_mem>>)
      %dma_wait3A_345 = arith.constant 0 : i32
      %dma_wait3A_346 = arith.constant 0 : i32
      %dma_wait3A_347 = tpu.memref_slice %arg5[%dma_wait3A_345, %dma_wait3A_346] : memref<200x32xi32, #tpu.memory_space<vmem>> -> memref<1x32xi32, #tpu.memory_space<vmem>>
      %dma_wait3A_348 = tpu.memref_squeeze %dma_wait3A_347 : memref<1x32xi32, #tpu.memory_space<vmem>> -> memref<32xi32, #tpu.memory_space<vmem>>
      %dma_wait3A_349 = arith.constant 0 : i32
      %dma_wait3A_350 = arith.constant 0 : i32
      %dma_wait3A_351 = tpu.memref_slice %arg3[%dma_wait3A_349, %dma_wait3A_350] : memref<100000x128xf32, #tpu.memory_space<hbm>> -> memref<100000x128xf32, #tpu.memory_space<hbm>>
      tpu.wait_indirect_dma semaphore(%arg17 : memref<!tpu.dma_semaphore, #tpu.memory_space<semaphore_mem>>) src(%dma_wait3A_351 : memref<100000x128xf32, #tpu.memory_space<hbm>>) dst(%arg7 : memref<32x128xf32, #tpu.memory_space<vmem>>)
      %add3A_352 = arith.constant 1 : i32
      %add3A_353 = arith.addi %add3A_327, %add3A_352 : i32
      %dma_start3A_354 = arith.constant 0 : i32
      %dma_start3A_355 = arith.constant 0 : i32
      %dma_start3A_356 = tpu.memref_slice %arg4[%add3A, %add3A_353, %dma_start3A_354, %dma_start3A_355] : memref<32x200x32x128xf32, #tpu.memory_space<hbm>> -> memref<1x1x32x128xf32, #tpu.memory_space<hbm>>
      %dma_start3A_357 = tpu.memref_squeeze %dma_start3A_356 : memref<1x1x32x128xf32, #tpu.memory_space<hbm>> -> memref<32x128xf32, #tpu.memory_space<hbm>>
      %dma_start3A_358 = arith.constant 0 : i32
      %dma_start3A_359 = arith.constant 0 : i32
      %dma_start3A_360 = tpu.memref_slice %arg4[%add3A, %add3A_353, %dma_start3A_358, %dma_start3A_359] : memref<32x200x32x128xf32, #tpu.memory_space<hbm>> -> memref<1x1x32x128xf32, #tpu.memory_space<hbm>>
      %dma_start3A_361 = tpu.memref_squeeze %dma_start3A_360 : memref<1x1x32x128xf32, #tpu.memory_space<hbm>> -> memref<32x128xf32, #tpu.memory_space<hbm>>
      tpu.enqueue_dma source(%arg7 : memref<32x128xf32, #tpu.memory_space<vmem>>) target(%dma_start3A_361 : memref<32x128xf32, #tpu.memory_space<hbm>>) target_semaphore(%arg27 : memref<!tpu.dma_semaphore, #tpu.memory_space<semaphore_mem>>)
      %dma_wait3A_362 = arith.constant 0 : i32
      %dma_wait3A_363 = arith.constant 0 : i32
      %dma_wait3A_364 = tpu.memref_slice %arg5[%dma_wait3A_362, %dma_wait3A_363] : memref<200x32xi32, #tpu.memory_space<vmem>> -> memref<1x32xi32, #tpu.memory_space<vmem>>
      %dma_wait3A_365 = tpu.memref_squeeze %dma_wait3A_364 : memref<1x32xi32, #tpu.memory_space<vmem>> -> memref<32xi32, #tpu.memory_space<vmem>>
      %dma_wait3A_366 = arith.constant 0 : i32
      %dma_wait3A_367 = arith.constant 0 : i32
      %dma_wait3A_368 = tpu.memref_slice %arg3[%dma_wait3A_366, %dma_wait3A_367] : memref<100000x128xf32, #tpu.memory_space<hbm>> -> memref<100000x128xf32, #tpu.memory_space<hbm>>
      tpu.wait_indirect_dma semaphore(%arg18 : memref<!tpu.dma_semaphore, #tpu.memory_space<semaphore_mem>>) src(%dma_wait3A_368 : memref<100000x128xf32, #tpu.memory_space<hbm>>) dst(%arg8 : memref<32x128xf32, #tpu.memory_space<vmem>>)
      %add3A_369 = arith.constant 2 : i32
      %add3A_370 = arith.addi %add3A_327, %add3A_369 : i32
      %dma_start3A_371 = arith.constant 0 : i32
      %dma_start3A_372 = arith.constant 0 : i32
      %dma_start3A_373 = tpu.memref_slice %arg4[%add3A, %add3A_370, %dma_start3A_371, %dma_start3A_372] : memref<32x200x32x128xf32, #tpu.memory_space<hbm>> -> memref<1x1x32x128xf32, #tpu.memory_space<hbm>>
      %dma_start3A_374 = tpu.memref_squeeze %dma_start3A_373 : memref<1x1x32x128xf32, #tpu.memory_space<hbm>> -> memref<32x128xf32, #tpu.memory_space<hbm>>
      %dma_start3A_375 = arith.constant 0 : i32
      %dma_start3A_376 = arith.constant 0 : i32
      %dma_start3A_377 = tpu.memref_slice %arg4[%add3A, %add3A_370, %dma_start3A_375, %dma_start3A_376] : memref<32x200x32x128xf32, #tpu.memory_space<hbm>> -> memref<1x1x32x128xf32, #tpu.memory_space<hbm>>
      %dma_start3A_378 = tpu.memref_squeeze %dma_start3A_377 : memref<1x1x32x128xf32, #tpu.memory_space<hbm>> -> memref<32x128xf32, #tpu.memory_space<hbm>>
      tpu.enqueue_dma source(%arg8 : memref<32x128xf32, #tpu.memory_space<vmem>>) target(%dma_start3A_378 : memref<32x128xf32, #tpu.memory_space<hbm>>) target_semaphore(%arg28 : memref<!tpu.dma_semaphore, #tpu.memory_space<semaphore_mem>>)
      %dma_wait3A_379 = arith.constant 0 : i32
      %dma_wait3A_380 = arith.constant 0 : i32
      %dma_wait3A_381 = tpu.memref_slice %arg5[%dma_wait3A_379, %dma_wait3A_380] : memref<200x32xi32, #tpu.memory_space<vmem>> -> memref<1x32xi32, #tpu.memory_space<vmem>>
      %dma_wait3A_382 = tpu.memref_squeeze %dma_wait3A_381 : memref<1x32xi32, #tpu.memory_space<vmem>> -> memref<32xi32, #tpu.memory_space<vmem>>
      %dma_wait3A_383 = arith.constant 0 : i32
      %dma_wait3A_384 = arith.constant 0 : i32
      %dma_wait3A_385 = tpu.memref_slice %arg3[%dma_wait3A_383, %dma_wait3A_384] : memref<100000x128xf32, #tpu.memory_space<hbm>> -> memref<100000x128xf32, #tpu.memory_space<hbm>>
      tpu.wait_indirect_dma semaphore(%arg19 : memref<!tpu.dma_semaphore, #tpu.memory_space<semaphore_mem>>) src(%dma_wait3A_385 : memref<100000x128xf32, #tpu.memory_space<hbm>>) dst(%arg9 : memref<32x128xf32, #tpu.memory_space<vmem>>)
      %add3A_386 = arith.constant 3 : i32
      %add3A_387 = arith.addi %add3A_327, %add3A_386 : i32
      %dma_start3A_388 = arith.constant 0 : i32
      %dma_start3A_389 = arith.constant 0 : i32
      %dma_start3A_390 = tpu.memref_slice %arg4[%add3A, %add3A_387, %dma_start3A_388, %dma_start3A_389] : memref<32x200x32x128xf32, #tpu.memory_space<hbm>> -> memref<1x1x32x128xf32, #tpu.memory_space<hbm>>
      %dma_start3A_391 = tpu.memref_squeeze %dma_start3A_390 : memref<1x1x32x128xf32, #tpu.memory_space<hbm>> -> memref<32x128xf32, #tpu.memory_space<hbm>>
      %dma_start3A_392 = arith.constant 0 : i32
      %dma_start3A_393 = arith.constant 0 : i32
      %dma_start3A_394 = tpu.memref_slice %arg4[%add3A, %add3A_387, %dma_start3A_392, %dma_start3A_393] : memref<32x200x32x128xf32, #tpu.memory_space<hbm>> -> memref<1x1x32x128xf32, #tpu.memory_space<hbm>>
      %dma_start3A_395 = tpu.memref_squeeze %dma_start3A_394 : memref<1x1x32x128xf32, #tpu.memory_space<hbm>> -> memref<32x128xf32, #tpu.memory_space<hbm>>
      tpu.enqueue_dma source(%arg9 : memref<32x128xf32, #tpu.memory_space<vmem>>) target(%dma_start3A_395 : memref<32x128xf32, #tpu.memory_space<hbm>>) target_semaphore(%arg29 : memref<!tpu.dma_semaphore, #tpu.memory_space<semaphore_mem>>)
      %dma_wait3A_396 = arith.constant 0 : i32
      %dma_wait3A_397 = arith.constant 0 : i32
      %dma_wait3A_398 = tpu.memref_slice %arg5[%dma_wait3A_396, %dma_wait3A_397] : memref<200x32xi32, #tpu.memory_space<vmem>> -> memref<1x32xi32, #tpu.memory_space<vmem>>
      %dma_wait3A_399 = tpu.memref_squeeze %dma_wait3A_398 : memref<1x32xi32, #tpu.memory_space<vmem>> -> memref<32xi32, #tpu.memory_space<vmem>>
      %dma_wait3A_400 = arith.constant 0 : i32
      %dma_wait3A_401 = arith.constant 0 : i32
      %dma_wait3A_402 = tpu.memref_slice %arg3[%dma_wait3A_400, %dma_wait3A_401] : memref<100000x128xf32, #tpu.memory_space<hbm>> -> memref<100000x128xf32, #tpu.memory_space<hbm>>
      tpu.wait_indirect_dma semaphore(%arg20 : memref<!tpu.dma_semaphore, #tpu.memory_space<semaphore_mem>>) src(%dma_wait3A_402 : memref<100000x128xf32, #tpu.memory_space<hbm>>) dst(%arg10 : memref<32x128xf32, #tpu.memory_space<vmem>>)
      %add3A_403 = arith.constant 4 : i32
      %add3A_404 = arith.addi %add3A_327, %add3A_403 : i32
      %dma_start3A_405 = arith.constant 0 : i32
      %dma_start3A_406 = arith.constant 0 : i32
      %dma_start3A_407 = tpu.memref_slice %arg4[%add3A, %add3A_404, %dma_start3A_405, %dma_start3A_406] : memref<32x200x32x128xf32, #tpu.memory_space<hbm>> -> memref<1x1x32x128xf32, #tpu.memory_space<hbm>>
      %dma_start3A_408 = tpu.memref_squeeze %dma_start3A_407 : memref<1x1x32x128xf32, #tpu.memory_space<hbm>> -> memref<32x128xf32, #tpu.memory_space<hbm>>
      %dma_start3A_409 = arith.constant 0 : i32
      %dma_start3A_410 = arith.constant 0 : i32
      %dma_start3A_411 = tpu.memref_slice %arg4[%add3A, %add3A_404, %dma_start3A_409, %dma_start3A_410] : memref<32x200x32x128xf32, #tpu.memory_space<hbm>> -> memref<1x1x32x128xf32, #tpu.memory_space<hbm>>
      %dma_start3A_412 = tpu.memref_squeeze %dma_start3A_411 : memref<1x1x32x128xf32, #tpu.memory_space<hbm>> -> memref<32x128xf32, #tpu.memory_space<hbm>>
      tpu.enqueue_dma source(%arg10 : memref<32x128xf32, #tpu.memory_space<vmem>>) target(%dma_start3A_412 : memref<32x128xf32, #tpu.memory_space<hbm>>) target_semaphore(%arg30 : memref<!tpu.dma_semaphore, #tpu.memory_space<semaphore_mem>>)
      %dma_wait3A_413 = arith.constant 0 : i32
      %dma_wait3A_414 = arith.constant 0 : i32
      %dma_wait3A_415 = tpu.memref_slice %arg5[%dma_wait3A_413, %dma_wait3A_414] : memref<200x32xi32, #tpu.memory_space<vmem>> -> memref<1x32xi32, #tpu.memory_space<vmem>>
      %dma_wait3A_416 = tpu.memref_squeeze %dma_wait3A_415 : memref<1x32xi32, #tpu.memory_space<vmem>> -> memref<32xi32, #tpu.memory_space<vmem>>
      %dma_wait3A_417 = arith.constant 0 : i32
      %dma_wait3A_418 = arith.constant 0 : i32
      %dma_wait3A_419 = tpu.memref_slice %arg3[%dma_wait3A_417, %dma_wait3A_418] : memref<100000x128xf32, #tpu.memory_space<hbm>> -> memref<100000x128xf32, #tpu.memory_space<hbm>>
      tpu.wait_indirect_dma semaphore(%arg21 : memref<!tpu.dma_semaphore, #tpu.memory_space<semaphore_mem>>) src(%dma_wait3A_419 : memref<100000x128xf32, #tpu.memory_space<hbm>>) dst(%arg11 : memref<32x128xf32, #tpu.memory_space<vmem>>)
      %add3A_420 = arith.constant 5 : i32
      %add3A_421 = arith.addi %add3A_327, %add3A_420 : i32
      %dma_start3A_422 = arith.constant 0 : i32
      %dma_start3A_423 = arith.constant 0 : i32
      %dma_start3A_424 = tpu.memref_slice %arg4[%add3A, %add3A_421, %dma_start3A_422, %dma_start3A_423] : memref<32x200x32x128xf32, #tpu.memory_space<hbm>> -> memref<1x1x32x128xf32, #tpu.memory_space<hbm>>
      %dma_start3A_425 = tpu.memref_squeeze %dma_start3A_424 : memref<1x1x32x128xf32, #tpu.memory_space<hbm>> -> memref<32x128xf32, #tpu.memory_space<hbm>>
      %dma_start3A_426 = arith.constant 0 : i32
      %dma_start3A_427 = arith.constant 0 : i32
      %dma_start3A_428 = tpu.memref_slice %arg4[%add3A, %add3A_421, %dma_start3A_426, %dma_start3A_427] : memref<32x200x32x128xf32, #tpu.memory_space<hbm>> -> memref<1x1x32x128xf32, #tpu.memory_space<hbm>>
      %dma_start3A_429 = tpu.memref_squeeze %dma_start3A_428 : memref<1x1x32x128xf32, #tpu.memory_space<hbm>> -> memref<32x128xf32, #tpu.memory_space<hbm>>
      tpu.enqueue_dma source(%arg11 : memref<32x128xf32, #tpu.memory_space<vmem>>) target(%dma_start3A_429 : memref<32x128xf32, #tpu.memory_space<hbm>>) target_semaphore(%arg31 : memref<!tpu.dma_semaphore, #tpu.memory_space<semaphore_mem>>)
      %dma_wait3A_430 = arith.constant 0 : i32
      %dma_wait3A_431 = arith.constant 0 : i32
      %dma_wait3A_432 = tpu.memref_slice %arg5[%dma_wait3A_430, %dma_wait3A_431] : memref<200x32xi32, #tpu.memory_space<vmem>> -> memref<1x32xi32, #tpu.memory_space<vmem>>
      %dma_wait3A_433 = tpu.memref_squeeze %dma_wait3A_432 : memref<1x32xi32, #tpu.memory_space<vmem>> -> memref<32xi32, #tpu.memory_space<vmem>>
      %dma_wait3A_434 = arith.constant 0 : i32
      %dma_wait3A_435 = arith.constant 0 : i32
      %dma_wait3A_436 = tpu.memref_slice %arg3[%dma_wait3A_434, %dma_wait3A_435] : memref<100000x128xf32, #tpu.memory_space<hbm>> -> memref<100000x128xf32, #tpu.memory_space<hbm>>
      tpu.wait_indirect_dma semaphore(%arg22 : memref<!tpu.dma_semaphore, #tpu.memory_space<semaphore_mem>>) src(%dma_wait3A_436 : memref<100000x128xf32, #tpu.memory_space<hbm>>) dst(%arg12 : memref<32x128xf32, #tpu.memory_space<vmem>>)
      %add3A_437 = arith.constant 6 : i32
      %add3A_438 = arith.addi %add3A_327, %add3A_437 : i32
      %dma_start3A_439 = arith.constant 0 : i32
      %dma_start3A_440 = arith.constant 0 : i32
      %dma_start3A_441 = tpu.memref_slice %arg4[%add3A, %add3A_438, %dma_start3A_439, %dma_start3A_440] : memref<32x200x32x128xf32, #tpu.memory_space<hbm>> -> memref<1x1x32x128xf32, #tpu.memory_space<hbm>>
      %dma_start3A_442 = tpu.memref_squeeze %dma_start3A_441 : memref<1x1x32x128xf32, #tpu.memory_space<hbm>> -> memref<32x128xf32, #tpu.memory_space<hbm>>
      %dma_start3A_443 = arith.constant 0 : i32
      %dma_start3A_444 = arith.constant 0 : i32
      %dma_start3A_445 = tpu.memref_slice %arg4[%add3A, %add3A_438, %dma_start3A_443, %dma_start3A_444] : memref<32x200x32x128xf32, #tpu.memory_space<hbm>> -> memref<1x1x32x128xf32, #tpu.memory_space<hbm>>
      %dma_start3A_446 = tpu.memref_squeeze %dma_start3A_445 : memref<1x1x32x128xf32, #tpu.memory_space<hbm>> -> memref<32x128xf32, #tpu.memory_space<hbm>>
      tpu.enqueue_dma source(%arg12 : memref<32x128xf32, #tpu.memory_space<vmem>>) target(%dma_start3A_446 : memref<32x128xf32, #tpu.memory_space<hbm>>) target_semaphore(%arg32 : memref<!tpu.dma_semaphore, #tpu.memory_space<semaphore_mem>>)
      %dma_wait3A_447 = arith.constant 0 : i32
      %dma_wait3A_448 = arith.constant 0 : i32
      %dma_wait3A_449 = tpu.memref_slice %arg5[%dma_wait3A_447, %dma_wait3A_448] : memref<200x32xi32, #tpu.memory_space<vmem>> -> memref<1x32xi32, #tpu.memory_space<vmem>>
      %dma_wait3A_450 = tpu.memref_squeeze %dma_wait3A_449 : memref<1x32xi32, #tpu.memory_space<vmem>> -> memref<32xi32, #tpu.memory_space<vmem>>
      %dma_wait3A_451 = arith.constant 0 : i32
      %dma_wait3A_452 = arith.constant 0 : i32
      %dma_wait3A_453 = tpu.memref_slice %arg3[%dma_wait3A_451, %dma_wait3A_452] : memref<100000x128xf32, #tpu.memory_space<hbm>> -> memref<100000x128xf32, #tpu.memory_space<hbm>>
      tpu.wait_indirect_dma semaphore(%arg23 : memref<!tpu.dma_semaphore, #tpu.memory_space<semaphore_mem>>) src(%dma_wait3A_453 : memref<100000x128xf32, #tpu.memory_space<hbm>>) dst(%arg13 : memref<32x128xf32, #tpu.memory_space<vmem>>)
      %add3A_454 = arith.constant 7 : i32
      %add3A_455 = arith.addi %add3A_327, %add3A_454 : i32
      %dma_start3A_456 = arith.constant 0 : i32
      %dma_start3A_457 = arith.constant 0 : i32
      %dma_start3A_458 = tpu.memref_slice %arg4[%add3A, %add3A_455, %dma_start3A_456, %dma_start3A_457] : memref<32x200x32x128xf32, #tpu.memory_space<hbm>> -> memref<1x1x32x128xf32, #tpu.memory_space<hbm>>
      %dma_start3A_459 = tpu.memref_squeeze %dma_start3A_458 : memref<1x1x32x128xf32, #tpu.memory_space<hbm>> -> memref<32x128xf32, #tpu.memory_space<hbm>>
      %dma_start3A_460 = arith.constant 0 : i32
      %dma_start3A_461 = arith.constant 0 : i32
      %dma_start3A_462 = tpu.memref_slice %arg4[%add3A, %add3A_455, %dma_start3A_460, %dma_start3A_461] : memref<32x200x32x128xf32, #tpu.memory_space<hbm>> -> memref<1x1x32x128xf32, #tpu.memory_space<hbm>>
      %dma_start3A_463 = tpu.memref_squeeze %dma_start3A_462 : memref<1x1x32x128xf32, #tpu.memory_space<hbm>> -> memref<32x128xf32, #tpu.memory_space<hbm>>
      tpu.enqueue_dma source(%arg13 : memref<32x128xf32, #tpu.memory_space<vmem>>) target(%dma_start3A_463 : memref<32x128xf32, #tpu.memory_space<hbm>>) target_semaphore(%arg33 : memref<!tpu.dma_semaphore, #tpu.memory_space<semaphore_mem>>)
      %dma_wait3A_464 = arith.constant 0 : i32
      %dma_wait3A_465 = arith.constant 0 : i32
      %dma_wait3A_466 = tpu.memref_slice %arg5[%dma_wait3A_464, %dma_wait3A_465] : memref<200x32xi32, #tpu.memory_space<vmem>> -> memref<1x32xi32, #tpu.memory_space<vmem>>
      %dma_wait3A_467 = tpu.memref_squeeze %dma_wait3A_466 : memref<1x32xi32, #tpu.memory_space<vmem>> -> memref<32xi32, #tpu.memory_space<vmem>>
      %dma_wait3A_468 = arith.constant 0 : i32
      %dma_wait3A_469 = arith.constant 0 : i32
      %dma_wait3A_470 = tpu.memref_slice %arg3[%dma_wait3A_468, %dma_wait3A_469] : memref<100000x128xf32, #tpu.memory_space<hbm>> -> memref<100000x128xf32, #tpu.memory_space<hbm>>
      tpu.wait_indirect_dma semaphore(%arg24 : memref<!tpu.dma_semaphore, #tpu.memory_space<semaphore_mem>>) src(%dma_wait3A_470 : memref<100000x128xf32, #tpu.memory_space<hbm>>) dst(%arg14 : memref<32x128xf32, #tpu.memory_space<vmem>>)
      %add3A_471 = arith.constant 8 : i32
      %add3A_472 = arith.addi %add3A_327, %add3A_471 : i32
      %dma_start3A_473 = arith.constant 0 : i32
      %dma_start3A_474 = arith.constant 0 : i32
      %dma_start3A_475 = tpu.memref_slice %arg4[%add3A, %add3A_472, %dma_start3A_473, %dma_start3A_474] : memref<32x200x32x128xf32, #tpu.memory_space<hbm>> -> memref<1x1x32x128xf32, #tpu.memory_space<hbm>>
      %dma_start3A_476 = tpu.memref_squeeze %dma_start3A_475 : memref<1x1x32x128xf32, #tpu.memory_space<hbm>> -> memref<32x128xf32, #tpu.memory_space<hbm>>
      %dma_start3A_477 = arith.constant 0 : i32
      %dma_start3A_478 = arith.constant 0 : i32
      %dma_start3A_479 = tpu.memref_slice %arg4[%add3A, %add3A_472, %dma_start3A_477, %dma_start3A_478] : memref<32x200x32x128xf32, #tpu.memory_space<hbm>> -> memref<1x1x32x128xf32, #tpu.memory_space<hbm>>
      %dma_start3A_480 = tpu.memref_squeeze %dma_start3A_479 : memref<1x1x32x128xf32, #tpu.memory_space<hbm>> -> memref<32x128xf32, #tpu.memory_space<hbm>>
      tpu.enqueue_dma source(%arg14 : memref<32x128xf32, #tpu.memory_space<vmem>>) target(%dma_start3A_480 : memref<32x128xf32, #tpu.memory_space<hbm>>) target_semaphore(%arg34 : memref<!tpu.dma_semaphore, #tpu.memory_space<semaphore_mem>>)
      %dma_wait3A_481 = arith.constant 0 : i32
      %dma_wait3A_482 = arith.constant 0 : i32
      %dma_wait3A_483 = tpu.memref_slice %arg5[%dma_wait3A_481, %dma_wait3A_482] : memref<200x32xi32, #tpu.memory_space<vmem>> -> memref<1x32xi32, #tpu.memory_space<vmem>>
      %dma_wait3A_484 = tpu.memref_squeeze %dma_wait3A_483 : memref<1x32xi32, #tpu.memory_space<vmem>> -> memref<32xi32, #tpu.memory_space<vmem>>
      %dma_wait3A_485 = arith.constant 0 : i32
      %dma_wait3A_486 = arith.constant 0 : i32
      %dma_wait3A_487 = tpu.memref_slice %arg3[%dma_wait3A_485, %dma_wait3A_486] : memref<100000x128xf32, #tpu.memory_space<hbm>> -> memref<100000x128xf32, #tpu.memory_space<hbm>>
      tpu.wait_indirect_dma semaphore(%arg25 : memref<!tpu.dma_semaphore, #tpu.memory_space<semaphore_mem>>) src(%dma_wait3A_487 : memref<100000x128xf32, #tpu.memory_space<hbm>>) dst(%arg15 : memref<32x128xf32, #tpu.memory_space<vmem>>)
      %add3A_488 = arith.constant 9 : i32
      %add3A_489 = arith.addi %add3A_327, %add3A_488 : i32
      %dma_start3A_490 = arith.constant 0 : i32
      %dma_start3A_491 = arith.constant 0 : i32
      %dma_start3A_492 = tpu.memref_slice %arg4[%add3A, %add3A_489, %dma_start3A_490, %dma_start3A_491] : memref<32x200x32x128xf32, #tpu.memory_space<hbm>> -> memref<1x1x32x128xf32, #tpu.memory_space<hbm>>
      %dma_start3A_493 = tpu.memref_squeeze %dma_start3A_492 : memref<1x1x32x128xf32, #tpu.memory_space<hbm>> -> memref<32x128xf32, #tpu.memory_space<hbm>>
      %dma_start3A_494 = arith.constant 0 : i32
      %dma_start3A_495 = arith.constant 0 : i32
      %dma_start3A_496 = tpu.memref_slice %arg4[%add3A, %add3A_489, %dma_start3A_494, %dma_start3A_495] : memref<32x200x32x128xf32, #tpu.memory_space<hbm>> -> memref<1x1x32x128xf32, #tpu.memory_space<hbm>>
      %dma_start3A_497 = tpu.memref_squeeze %dma_start3A_496 : memref<1x1x32x128xf32, #tpu.memory_space<hbm>> -> memref<32x128xf32, #tpu.memory_space<hbm>>
      tpu.enqueue_dma source(%arg15 : memref<32x128xf32, #tpu.memory_space<vmem>>) target(%dma_start3A_497 : memref<32x128xf32, #tpu.memory_space<hbm>>) target_semaphore(%arg35 : memref<!tpu.dma_semaphore, #tpu.memory_space<semaphore_mem>>)
      %dma_wait3A_498 = arith.constant 0 : i32
      %dma_wait3A_499 = arith.constant 0 : i32
      %dma_wait3A_500 = arith.constant 0 : i32
      %dma_wait3A_501 = tpu.memref_slice %arg4[%add3A, %dma_wait3A_498, %dma_wait3A_499, %dma_wait3A_500] : memref<32x200x32x128xf32, #tpu.memory_space<hbm>> -> memref<1x1x32x128xf32, #tpu.memory_space<hbm>>
      %dma_wait3A_502 = tpu.memref_squeeze %dma_wait3A_501 : memref<1x1x32x128xf32, #tpu.memory_space<hbm>> -> memref<32x128xf32, #tpu.memory_space<hbm>>
      %dma_wait3A_503 = arith.constant 0 : i32
      %dma_wait3A_504 = arith.constant 0 : i32
      %dma_wait3A_505 = tpu.memref_slice %arg4[%add3A, %dma_wait3A_498, %dma_wait3A_503, %dma_wait3A_504] : memref<32x200x32x128xf32, #tpu.memory_space<hbm>> -> memref<1x1x32x128xf32, #tpu.memory_space<hbm>>
      %dma_wait3A_506 = tpu.memref_squeeze %dma_wait3A_505 : memref<1x1x32x128xf32, #tpu.memory_space<hbm>> -> memref<32x128xf32, #tpu.memory_space<hbm>>
      tpu.wait_dma2 semaphore(%arg26 : memref<!tpu.dma_semaphore, #tpu.memory_space<semaphore_mem>>) src(%arg6 : memref<32x128xf32, #tpu.memory_space<vmem>>) dst(%dma_wait3A_506 : memref<32x128xf32, #tpu.memory_space<hbm>>)
      %add3A_507 = arith.constant 0 : i32
      %add3A_508 = arith.addi %add3A_327, %add3A_507 : i32
      %add3A_509 = arith.constant 10 : i32
      %add3A_510 = arith.addi %add3A_508, %add3A_509 : i32
      %dma_start3A_511 = arith.constant 0 : i32
      %dma_start3A_512 = tpu.memref_slice %arg5[%add3A_510, %dma_start3A_511] : memref<200x32xi32, #tpu.memory_space<vmem>> -> memref<1x32xi32, #tpu.memory_space<vmem>>
      %dma_start3A_513 = tpu.memref_squeeze %dma_start3A_512 : memref<1x32xi32, #tpu.memory_space<vmem>> -> memref<32xi32, #tpu.memory_space<vmem>>
      %dma_start3A_514 = arith.constant 0 : i32
      %dma_start3A_515 = arith.constant 0 : i32
      %dma_start3A_516 = tpu.memref_slice %arg3[%dma_start3A_514, %dma_start3A_515] : memref<100000x128xf32, #tpu.memory_space<hbm>> -> memref<100000x128xf32, #tpu.memory_space<hbm>>
      tpu.enqueue_indirect_dma source(%dma_start3A_516 : memref<100000x128xf32, #tpu.memory_space<hbm>>) target(%arg6 : memref<32x128xf32, #tpu.memory_space<vmem>>) offsets(%dma_start3A_513 : memref<32xi32, #tpu.memory_space<vmem>>) semaphore(%arg16 : memref<!tpu.dma_semaphore, #tpu.memory_space<semaphore_mem>>)
      %dma_wait3A_517 = arith.constant 0 : i32
      %dma_wait3A_518 = arith.constant 0 : i32
      %dma_wait3A_519 = arith.constant 0 : i32
      %dma_wait3A_520 = tpu.memref_slice %arg4[%add3A, %dma_wait3A_517, %dma_wait3A_518, %dma_wait3A_519] : memref<32x200x32x128xf32, #tpu.memory_space<hbm>> -> memref<1x1x32x128xf32, #tpu.memory_space<hbm>>
      %dma_wait3A_521 = tpu.memref_squeeze %dma_wait3A_520 : memref<1x1x32x128xf32, #tpu.memory_space<hbm>> -> memref<32x128xf32, #tpu.memory_space<hbm>>
      %dma_wait3A_522 = arith.constant 0 : i32
      %dma_wait3A_523 = arith.constant 0 : i32
      %dma_wait3A_524 = tpu.memref_slice %arg4[%add3A, %dma_wait3A_517, %dma_wait3A_522, %dma_wait3A_523] : memref<32x200x32x128xf32, #tpu.memory_space<hbm>> -> memref<1x1x32x128xf32, #tpu.memory_space<hbm>>
      %dma_wait3A_525 = tpu.memref_squeeze %dma_wait3A_524 : memref<1x1x32x128xf32, #tpu.memory_space<hbm>> -> memref<32x128xf32, #tpu.memory_space<hbm>>
      tpu.wait_dma2 semaphore(%arg27 : memref<!tpu.dma_semaphore, #tpu.memory_space<semaphore_mem>>) src(%arg7 : memref<32x128xf32, #tpu.memory_space<vmem>>) dst(%dma_wait3A_525 : memref<32x128xf32, #tpu.memory_space<hbm>>)
      %add3A_526 = arith.constant 1 : i32
      %add3A_527 = arith.addi %add3A_327, %add3A_526 : i32
      %add3A_528 = arith.constant 10 : i32
      %add3A_529 = arith.addi %add3A_527, %add3A_528 : i32
      %dma_start3A_530 = arith.constant 0 : i32
      %dma_start3A_531 = tpu.memref_slice %arg5[%add3A_529, %dma_start3A_530] : memref<200x32xi32, #tpu.memory_space<vmem>> -> memref<1x32xi32, #tpu.memory_space<vmem>>
      %dma_start3A_532 = tpu.memref_squeeze %dma_start3A_531 : memref<1x32xi32, #tpu.memory_space<vmem>> -> memref<32xi32, #tpu.memory_space<vmem>>
      %dma_start3A_533 = arith.constant 0 : i32
      %dma_start3A_534 = arith.constant 0 : i32
      %dma_start3A_535 = tpu.memref_slice %arg3[%dma_start3A_533, %dma_start3A_534] : memref<100000x128xf32, #tpu.memory_space<hbm>> -> memref<100000x128xf32, #tpu.memory_space<hbm>>
      tpu.enqueue_indirect_dma source(%dma_start3A_535 : memref<100000x128xf32, #tpu.memory_space<hbm>>) target(%arg7 : memref<32x128xf32, #tpu.memory_space<vmem>>) offsets(%dma_start3A_532 : memref<32xi32, #tpu.memory_space<vmem>>) semaphore(%arg17 : memref<!tpu.dma_semaphore, #tpu.memory_space<semaphore_mem>>)
      %dma_wait3A_536 = arith.constant 0 : i32
      %dma_wait3A_537 = arith.constant 0 : i32
      %dma_wait3A_538 = arith.constant 0 : i32
      %dma_wait3A_539 = tpu.memref_slice %arg4[%add3A, %dma_wait3A_536, %dma_wait3A_537, %dma_wait3A_538] : memref<32x200x32x128xf32, #tpu.memory_space<hbm>> -> memref<1x1x32x128xf32, #tpu.memory_space<hbm>>
      %dma_wait3A_540 = tpu.memref_squeeze %dma_wait3A_539 : memref<1x1x32x128xf32, #tpu.memory_space<hbm>> -> memref<32x128xf32, #tpu.memory_space<hbm>>
      %dma_wait3A_541 = arith.constant 0 : i32
      %dma_wait3A_542 = arith.constant 0 : i32
      %dma_wait3A_543 = tpu.memref_slice %arg4[%add3A, %dma_wait3A_536, %dma_wait3A_541, %dma_wait3A_542] : memref<32x200x32x128xf32, #tpu.memory_space<hbm>> -> memref<1x1x32x128xf32, #tpu.memory_space<hbm>>
      %dma_wait3A_544 = tpu.memref_squeeze %dma_wait3A_543 : memref<1x1x32x128xf32, #tpu.memory_space<hbm>> -> memref<32x128xf32, #tpu.memory_space<hbm>>
      tpu.wait_dma2 semaphore(%arg28 : memref<!tpu.dma_semaphore, #tpu.memory_space<semaphore_mem>>) src(%arg8 : memref<32x128xf32, #tpu.memory_space<vmem>>) dst(%dma_wait3A_544 : memref<32x128xf32, #tpu.memory_space<hbm>>)
      %add3A_545 = arith.constant 2 : i32
      %add3A_546 = arith.addi %add3A_327, %add3A_545 : i32
      %add3A_547 = arith.constant 10 : i32
      %add3A_548 = arith.addi %add3A_546, %add3A_547 : i32
      %dma_start3A_549 = arith.constant 0 : i32
      %dma_start3A_550 = tpu.memref_slice %arg5[%add3A_548, %dma_start3A_549] : memref<200x32xi32, #tpu.memory_space<vmem>> -> memref<1x32xi32, #tpu.memory_space<vmem>>
      %dma_start3A_551 = tpu.memref_squeeze %dma_start3A_550 : memref<1x32xi32, #tpu.memory_space<vmem>> -> memref<32xi32, #tpu.memory_space<vmem>>
      %dma_start3A_552 = arith.constant 0 : i32
      %dma_start3A_553 = arith.constant 0 : i32
      %dma_start3A_554 = tpu.memref_slice %arg3[%dma_start3A_552, %dma_start3A_553] : memref<100000x128xf32, #tpu.memory_space<hbm>> -> memref<100000x128xf32, #tpu.memory_space<hbm>>
      tpu.enqueue_indirect_dma source(%dma_start3A_554 : memref<100000x128xf32, #tpu.memory_space<hbm>>) target(%arg8 : memref<32x128xf32, #tpu.memory_space<vmem>>) offsets(%dma_start3A_551 : memref<32xi32, #tpu.memory_space<vmem>>) semaphore(%arg18 : memref<!tpu.dma_semaphore, #tpu.memory_space<semaphore_mem>>)
      %dma_wait3A_555 = arith.constant 0 : i32
      %dma_wait3A_556 = arith.constant 0 : i32
      %dma_wait3A_557 = arith.constant 0 : i32
      %dma_wait3A_558 = tpu.memref_slice %arg4[%add3A, %dma_wait3A_555, %dma_wait3A_556, %dma_wait3A_557] : memref<32x200x32x128xf32, #tpu.memory_space<hbm>> -> memref<1x1x32x128xf32, #tpu.memory_space<hbm>>
      %dma_wait3A_559 = tpu.memref_squeeze %dma_wait3A_558 : memref<1x1x32x128xf32, #tpu.memory_space<hbm>> -> memref<32x128xf32, #tpu.memory_space<hbm>>
      %dma_wait3A_560 = arith.constant 0 : i32
      %dma_wait3A_561 = arith.constant 0 : i32
      %dma_wait3A_562 = tpu.memref_slice %arg4[%add3A, %dma_wait3A_555, %dma_wait3A_560, %dma_wait3A_561] : memref<32x200x32x128xf32, #tpu.memory_space<hbm>> -> memref<1x1x32x128xf32, #tpu.memory_space<hbm>>
      %dma_wait3A_563 = tpu.memref_squeeze %dma_wait3A_562 : memref<1x1x32x128xf32, #tpu.memory_space<hbm>> -> memref<32x128xf32, #tpu.memory_space<hbm>>
      tpu.wait_dma2 semaphore(%arg29 : memref<!tpu.dma_semaphore, #tpu.memory_space<semaphore_mem>>) src(%arg9 : memref<32x128xf32, #tpu.memory_space<vmem>>) dst(%dma_wait3A_563 : memref<32x128xf32, #tpu.memory_space<hbm>>)
      %add3A_564 = arith.constant 3 : i32
      %add3A_565 = arith.addi %add3A_327, %add3A_564 : i32
      %add3A_566 = arith.constant 10 : i32
      %add3A_567 = arith.addi %add3A_565, %add3A_566 : i32
      %dma_start3A_568 = arith.constant 0 : i32
      %dma_start3A_569 = tpu.memref_slice %arg5[%add3A_567, %dma_start3A_568] : memref<200x32xi32, #tpu.memory_space<vmem>> -> memref<1x32xi32, #tpu.memory_space<vmem>>
      %dma_start3A_570 = tpu.memref_squeeze %dma_start3A_569 : memref<1x32xi32, #tpu.memory_space<vmem>> -> memref<32xi32, #tpu.memory_space<vmem>>
      %dma_start3A_571 = arith.constant 0 : i32
      %dma_start3A_572 = arith.constant 0 : i32
      %dma_start3A_573 = tpu.memref_slice %arg3[%dma_start3A_571, %dma_start3A_572] : memref<100000x128xf32, #tpu.memory_space<hbm>> -> memref<100000x128xf32, #tpu.memory_space<hbm>>
      tpu.enqueue_indirect_dma source(%dma_start3A_573 : memref<100000x128xf32, #tpu.memory_space<hbm>>) target(%arg9 : memref<32x128xf32, #tpu.memory_space<vmem>>) offsets(%dma_start3A_570 : memref<32xi32, #tpu.memory_space<vmem>>) semaphore(%arg19 : memref<!tpu.dma_semaphore, #tpu.memory_space<semaphore_mem>>)
      %dma_wait3A_574 = arith.constant 0 : i32
      %dma_wait3A_575 = arith.constant 0 : i32
      %dma_wait3A_576 = arith.constant 0 : i32
      %dma_wait3A_577 = tpu.memref_slice %arg4[%add3A, %dma_wait3A_574, %dma_wait3A_575, %dma_wait3A_576] : memref<32x200x32x128xf32, #tpu.memory_space<hbm>> -> memref<1x1x32x128xf32, #tpu.memory_space<hbm>>
      %dma_wait3A_578 = tpu.memref_squeeze %dma_wait3A_577 : memref<1x1x32x128xf32, #tpu.memory_space<hbm>> -> memref<32x128xf32, #tpu.memory_space<hbm>>
      %dma_wait3A_579 = arith.constant 0 : i32
      %dma_wait3A_580 = arith.constant 0 : i32
      %dma_wait3A_581 = tpu.memref_slice %arg4[%add3A, %dma_wait3A_574, %dma_wait3A_579, %dma_wait3A_580] : memref<32x200x32x128xf32, #tpu.memory_space<hbm>> -> memref<1x1x32x128xf32, #tpu.memory_space<hbm>>
      %dma_wait3A_582 = tpu.memref_squeeze %dma_wait3A_581 : memref<1x1x32x128xf32, #tpu.memory_space<hbm>> -> memref<32x128xf32, #tpu.memory_space<hbm>>
      tpu.wait_dma2 semaphore(%arg30 : memref<!tpu.dma_semaphore, #tpu.memory_space<semaphore_mem>>) src(%arg10 : memref<32x128xf32, #tpu.memory_space<vmem>>) dst(%dma_wait3A_582 : memref<32x128xf32, #tpu.memory_space<hbm>>)
      %add3A_583 = arith.constant 4 : i32
      %add3A_584 = arith.addi %add3A_327, %add3A_583 : i32
      %add3A_585 = arith.constant 10 : i32
      %add3A_586 = arith.addi %add3A_584, %add3A_585 : i32
      %dma_start3A_587 = arith.constant 0 : i32
      %dma_start3A_588 = tpu.memref_slice %arg5[%add3A_586, %dma_start3A_587] : memref<200x32xi32, #tpu.memory_space<vmem>> -> memref<1x32xi32, #tpu.memory_space<vmem>>
      %dma_start3A_589 = tpu.memref_squeeze %dma_start3A_588 : memref<1x32xi32, #tpu.memory_space<vmem>> -> memref<32xi32, #tpu.memory_space<vmem>>
      %dma_start3A_590 = arith.constant 0 : i32
      %dma_start3A_591 = arith.constant 0 : i32
      %dma_start3A_592 = tpu.memref_slice %arg3[%dma_start3A_590, %dma_start3A_591] : memref<100000x128xf32, #tpu.memory_space<hbm>> -> memref<100000x128xf32, #tpu.memory_space<hbm>>
      tpu.enqueue_indirect_dma source(%dma_start3A_592 : memref<100000x128xf32, #tpu.memory_space<hbm>>) target(%arg10 : memref<32x128xf32, #tpu.memory_space<vmem>>) offsets(%dma_start3A_589 : memref<32xi32, #tpu.memory_space<vmem>>) semaphore(%arg20 : memref<!tpu.dma_semaphore, #tpu.memory_space<semaphore_mem>>)
      %dma_wait3A_593 = arith.constant 0 : i32
      %dma_wait3A_594 = arith.constant 0 : i32
      %dma_wait3A_595 = arith.constant 0 : i32
      %dma_wait3A_596 = tpu.memref_slice %arg4[%add3A, %dma_wait3A_593, %dma_wait3A_594, %dma_wait3A_595] : memref<32x200x32x128xf32, #tpu.memory_space<hbm>> -> memref<1x1x32x128xf32, #tpu.memory_space<hbm>>
      %dma_wait3A_597 = tpu.memref_squeeze %dma_wait3A_596 : memref<1x1x32x128xf32, #tpu.memory_space<hbm>> -> memref<32x128xf32, #tpu.memory_space<hbm>>
      %dma_wait3A_598 = arith.constant 0 : i32
      %dma_wait3A_599 = arith.constant 0 : i32
      %dma_wait3A_600 = tpu.memref_slice %arg4[%add3A, %dma_wait3A_593, %dma_wait3A_598, %dma_wait3A_599] : memref<32x200x32x128xf32, #tpu.memory_space<hbm>> -> memref<1x1x32x128xf32, #tpu.memory_space<hbm>>
      %dma_wait3A_601 = tpu.memref_squeeze %dma_wait3A_600 : memref<1x1x32x128xf32, #tpu.memory_space<hbm>> -> memref<32x128xf32, #tpu.memory_space<hbm>>
      tpu.wait_dma2 semaphore(%arg31 : memref<!tpu.dma_semaphore, #tpu.memory_space<semaphore_mem>>) src(%arg11 : memref<32x128xf32, #tpu.memory_space<vmem>>) dst(%dma_wait3A_601 : memref<32x128xf32, #tpu.memory_space<hbm>>)
      %add3A_602 = arith.constant 5 : i32
      %add3A_603 = arith.addi %add3A_327, %add3A_602 : i32
      %add3A_604 = arith.constant 10 : i32
      %add3A_605 = arith.addi %add3A_603, %add3A_604 : i32
      %dma_start3A_606 = arith.constant 0 : i32
      %dma_start3A_607 = tpu.memref_slice %arg5[%add3A_605, %dma_start3A_606] : memref<200x32xi32, #tpu.memory_space<vmem>> -> memref<1x32xi32, #tpu.memory_space<vmem>>
      %dma_start3A_608 = tpu.memref_squeeze %dma_start3A_607 : memref<1x32xi32, #tpu.memory_space<vmem>> -> memref<32xi32, #tpu.memory_space<vmem>>
      %dma_start3A_609 = arith.constant 0 : i32
      %dma_start3A_610 = arith.constant 0 : i32
      %dma_start3A_611 = tpu.memref_slice %arg3[%dma_start3A_609, %dma_start3A_610] : memref<100000x128xf32, #tpu.memory_space<hbm>> -> memref<100000x128xf32, #tpu.memory_space<hbm>>
      tpu.enqueue_indirect_dma source(%dma_start3A_611 : memref<100000x128xf32, #tpu.memory_space<hbm>>) target(%arg11 : memref<32x128xf32, #tpu.memory_space<vmem>>) offsets(%dma_start3A_608 : memref<32xi32, #tpu.memory_space<vmem>>) semaphore(%arg21 : memref<!tpu.dma_semaphore, #tpu.memory_space<semaphore_mem>>)
      %dma_wait3A_612 = arith.constant 0 : i32
      %dma_wait3A_613 = arith.constant 0 : i32
      %dma_wait3A_614 = arith.constant 0 : i32
      %dma_wait3A_615 = tpu.memref_slice %arg4[%add3A, %dma_wait3A_612, %dma_wait3A_613, %dma_wait3A_614] : memref<32x200x32x128xf32, #tpu.memory_space<hbm>> -> memref<1x1x32x128xf32, #tpu.memory_space<hbm>>
      %dma_wait3A_616 = tpu.memref_squeeze %dma_wait3A_615 : memref<1x1x32x128xf32, #tpu.memory_space<hbm>> -> memref<32x128xf32, #tpu.memory_space<hbm>>
      %dma_wait3A_617 = arith.constant 0 : i32
      %dma_wait3A_618 = arith.constant 0 : i32
      %dma_wait3A_619 = tpu.memref_slice %arg4[%add3A, %dma_wait3A_612, %dma_wait3A_617, %dma_wait3A_618] : memref<32x200x32x128xf32, #tpu.memory_space<hbm>> -> memref<1x1x32x128xf32, #tpu.memory_space<hbm>>
      %dma_wait3A_620 = tpu.memref_squeeze %dma_wait3A_619 : memref<1x1x32x128xf32, #tpu.memory_space<hbm>> -> memref<32x128xf32, #tpu.memory_space<hbm>>
      tpu.wait_dma2 semaphore(%arg32 : memref<!tpu.dma_semaphore, #tpu.memory_space<semaphore_mem>>) src(%arg12 : memref<32x128xf32, #tpu.memory_space<vmem>>) dst(%dma_wait3A_620 : memref<32x128xf32, #tpu.memory_space<hbm>>)
      %add3A_621 = arith.constant 6 : i32
      %add3A_622 = arith.addi %add3A_327, %add3A_621 : i32
      %add3A_623 = arith.constant 10 : i32
      %add3A_624 = arith.addi %add3A_622, %add3A_623 : i32
      %dma_start3A_625 = arith.constant 0 : i32
      %dma_start3A_626 = tpu.memref_slice %arg5[%add3A_624, %dma_start3A_625] : memref<200x32xi32, #tpu.memory_space<vmem>> -> memref<1x32xi32, #tpu.memory_space<vmem>>
      %dma_start3A_627 = tpu.memref_squeeze %dma_start3A_626 : memref<1x32xi32, #tpu.memory_space<vmem>> -> memref<32xi32, #tpu.memory_space<vmem>>
      %dma_start3A_628 = arith.constant 0 : i32
      %dma_start3A_629 = arith.constant 0 : i32
      %dma_start3A_630 = tpu.memref_slice %arg3[%dma_start3A_628, %dma_start3A_629] : memref<100000x128xf32, #tpu.memory_space<hbm>> -> memref<100000x128xf32, #tpu.memory_space<hbm>>
      tpu.enqueue_indirect_dma source(%dma_start3A_630 : memref<100000x128xf32, #tpu.memory_space<hbm>>) target(%arg12 : memref<32x128xf32, #tpu.memory_space<vmem>>) offsets(%dma_start3A_627 : memref<32xi32, #tpu.memory_space<vmem>>) semaphore(%arg22 : memref<!tpu.dma_semaphore, #tpu.memory_space<semaphore_mem>>)
      %dma_wait3A_631 = arith.constant 0 : i32
      %dma_wait3A_632 = arith.constant 0 : i32
      %dma_wait3A_633 = arith.constant 0 : i32
      %dma_wait3A_634 = tpu.memref_slice %arg4[%add3A, %dma_wait3A_631, %dma_wait3A_632, %dma_wait3A_633] : memref<32x200x32x128xf32, #tpu.memory_space<hbm>> -> memref<1x1x32x128xf32, #tpu.memory_space<hbm>>
      %dma_wait3A_635 = tpu.memref_squeeze %dma_wait3A_634 : memref<1x1x32x128xf32, #tpu.memory_space<hbm>> -> memref<32x128xf32, #tpu.memory_space<hbm>>
      %dma_wait3A_636 = arith.constant 0 : i32
      %dma_wait3A_637 = arith.constant 0 : i32
      %dma_wait3A_638 = tpu.memref_slice %arg4[%add3A, %dma_wait3A_631, %dma_wait3A_636, %dma_wait3A_637] : memref<32x200x32x128xf32, #tpu.memory_space<hbm>> -> memref<1x1x32x128xf32, #tpu.memory_space<hbm>>
      %dma_wait3A_639 = tpu.memref_squeeze %dma_wait3A_638 : memref<1x1x32x128xf32, #tpu.memory_space<hbm>> -> memref<32x128xf32, #tpu.memory_space<hbm>>
      tpu.wait_dma2 semaphore(%arg33 : memref<!tpu.dma_semaphore, #tpu.memory_space<semaphore_mem>>) src(%arg13 : memref<32x128xf32, #tpu.memory_space<vmem>>) dst(%dma_wait3A_639 : memref<32x128xf32, #tpu.memory_space<hbm>>)
      %add3A_640 = arith.constant 7 : i32
      %add3A_641 = arith.addi %add3A_327, %add3A_640 : i32
      %add3A_642 = arith.constant 10 : i32
      %add3A_643 = arith.addi %add3A_641, %add3A_642 : i32
      %dma_start3A_644 = arith.constant 0 : i32
      %dma_start3A_645 = tpu.memref_slice %arg5[%add3A_643, %dma_start3A_644] : memref<200x32xi32, #tpu.memory_space<vmem>> -> memref<1x32xi32, #tpu.memory_space<vmem>>
      %dma_start3A_646 = tpu.memref_squeeze %dma_start3A_645 : memref<1x32xi32, #tpu.memory_space<vmem>> -> memref<32xi32, #tpu.memory_space<vmem>>
      %dma_start3A_647 = arith.constant 0 : i32
      %dma_start3A_648 = arith.constant 0 : i32
      %dma_start3A_649 = tpu.memref_slice %arg3[%dma_start3A_647, %dma_start3A_648] : memref<100000x128xf32, #tpu.memory_space<hbm>> -> memref<100000x128xf32, #tpu.memory_space<hbm>>
      tpu.enqueue_indirect_dma source(%dma_start3A_649 : memref<100000x128xf32, #tpu.memory_space<hbm>>) target(%arg13 : memref<32x128xf32, #tpu.memory_space<vmem>>) offsets(%dma_start3A_646 : memref<32xi32, #tpu.memory_space<vmem>>) semaphore(%arg23 : memref<!tpu.dma_semaphore, #tpu.memory_space<semaphore_mem>>)
      %dma_wait3A_650 = arith.constant 0 : i32
      %dma_wait3A_651 = arith.constant 0 : i32
      %dma_wait3A_652 = arith.constant 0 : i32
      %dma_wait3A_653 = tpu.memref_slice %arg4[%add3A, %dma_wait3A_650, %dma_wait3A_651, %dma_wait3A_652] : memref<32x200x32x128xf32, #tpu.memory_space<hbm>> -> memref<1x1x32x128xf32, #tpu.memory_space<hbm>>
      %dma_wait3A_654 = tpu.memref_squeeze %dma_wait3A_653 : memref<1x1x32x128xf32, #tpu.memory_space<hbm>> -> memref<32x128xf32, #tpu.memory_space<hbm>>
      %dma_wait3A_655 = arith.constant 0 : i32
      %dma_wait3A_656 = arith.constant 0 : i32
      %dma_wait3A_657 = tpu.memref_slice %arg4[%add3A, %dma_wait3A_650, %dma_wait3A_655, %dma_wait3A_656] : memref<32x200x32x128xf32, #tpu.memory_space<hbm>> -> memref<1x1x32x128xf32, #tpu.memory_space<hbm>>
      %dma_wait3A_658 = tpu.memref_squeeze %dma_wait3A_657 : memref<1x1x32x128xf32, #tpu.memory_space<hbm>> -> memref<32x128xf32, #tpu.memory_space<hbm>>
      tpu.wait_dma2 semaphore(%arg34 : memref<!tpu.dma_semaphore, #tpu.memory_space<semaphore_mem>>) src(%arg14 : memref<32x128xf32, #tpu.memory_space<vmem>>) dst(%dma_wait3A_658 : memref<32x128xf32, #tpu.memory_space<hbm>>)
      %add3A_659 = arith.constant 8 : i32
      %add3A_660 = arith.addi %add3A_327, %add3A_659 : i32
      %add3A_661 = arith.constant 10 : i32
      %add3A_662 = arith.addi %add3A_660, %add3A_661 : i32
      %dma_start3A_663 = arith.constant 0 : i32
      %dma_start3A_664 = tpu.memref_slice %arg5[%add3A_662, %dma_start3A_663] : memref<200x32xi32, #tpu.memory_space<vmem>> -> memref<1x32xi32, #tpu.memory_space<vmem>>
      %dma_start3A_665 = tpu.memref_squeeze %dma_start3A_664 : memref<1x32xi32, #tpu.memory_space<vmem>> -> memref<32xi32, #tpu.memory_space<vmem>>
      %dma_start3A_666 = arith.constant 0 : i32
      %dma_start3A_667 = arith.constant 0 : i32
      %dma_start3A_668 = tpu.memref_slice %arg3[%dma_start3A_666, %dma_start3A_667] : memref<100000x128xf32, #tpu.memory_space<hbm>> -> memref<100000x128xf32, #tpu.memory_space<hbm>>
      tpu.enqueue_indirect_dma source(%dma_start3A_668 : memref<100000x128xf32, #tpu.memory_space<hbm>>) target(%arg14 : memref<32x128xf32, #tpu.memory_space<vmem>>) offsets(%dma_start3A_665 : memref<32xi32, #tpu.memory_space<vmem>>) semaphore(%arg24 : memref<!tpu.dma_semaphore, #tpu.memory_space<semaphore_mem>>)
      %dma_wait3A_669 = arith.constant 0 : i32
      %dma_wait3A_670 = arith.constant 0 : i32
      %dma_wait3A_671 = arith.constant 0 : i32
      %dma_wait3A_672 = tpu.memref_slice %arg4[%add3A, %dma_wait3A_669, %dma_wait3A_670, %dma_wait3A_671] : memref<32x200x32x128xf32, #tpu.memory_space<hbm>> -> memref<1x1x32x128xf32, #tpu.memory_space<hbm>>
      %dma_wait3A_673 = tpu.memref_squeeze %dma_wait3A_672 : memref<1x1x32x128xf32, #tpu.memory_space<hbm>> -> memref<32x128xf32, #tpu.memory_space<hbm>>
      %dma_wait3A_674 = arith.constant 0 : i32
      %dma_wait3A_675 = arith.constant 0 : i32
      %dma_wait3A_676 = tpu.memref_slice %arg4[%add3A, %dma_wait3A_669, %dma_wait3A_674, %dma_wait3A_675] : memref<32x200x32x128xf32, #tpu.memory_space<hbm>> -> memref<1x1x32x128xf32, #tpu.memory_space<hbm>>
      %dma_wait3A_677 = tpu.memref_squeeze %dma_wait3A_676 : memref<1x1x32x128xf32, #tpu.memory_space<hbm>> -> memref<32x128xf32, #tpu.memory_space<hbm>>
      tpu.wait_dma2 semaphore(%arg35 : memref<!tpu.dma_semaphore, #tpu.memory_space<semaphore_mem>>) src(%arg15 : memref<32x128xf32, #tpu.memory_space<vmem>>) dst(%dma_wait3A_677 : memref<32x128xf32, #tpu.memory_space<hbm>>)
      %add3A_678 = arith.constant 9 : i32
      %add3A_679 = arith.addi %add3A_327, %add3A_678 : i32
      %add3A_680 = arith.constant 10 : i32
      %add3A_681 = arith.addi %add3A_679, %add3A_680 : i32
      %dma_start3A_682 = arith.constant 0 : i32
      %dma_start3A_683 = tpu.memref_slice %arg5[%add3A_681, %dma_start3A_682] : memref<200x32xi32, #tpu.memory_space<vmem>> -> memref<1x32xi32, #tpu.memory_space<vmem>>
      %dma_start3A_684 = tpu.memref_squeeze %dma_start3A_683 : memref<1x32xi32, #tpu.memory_space<vmem>> -> memref<32xi32, #tpu.memory_space<vmem>>
      %dma_start3A_685 = arith.constant 0 : i32
      %dma_start3A_686 = arith.constant 0 : i32
      %dma_start3A_687 = tpu.memref_slice %arg3[%dma_start3A_685, %dma_start3A_686] : memref<100000x128xf32, #tpu.memory_space<hbm>> -> memref<100000x128xf32, #tpu.memory_space<hbm>>
      tpu.enqueue_indirect_dma source(%dma_start3A_687 : memref<100000x128xf32, #tpu.memory_space<hbm>>) target(%arg15 : memref<32x128xf32, #tpu.memory_space<vmem>>) offsets(%dma_start3A_684 : memref<32xi32, #tpu.memory_space<vmem>>) semaphore(%arg25 : memref<!tpu.dma_semaphore, #tpu.memory_space<semaphore_mem>>)
    }
    %scan3A_73 = arith.constant 19 : i32
    %dma_wait3A = arith.constant 0 : i32
    %dma_wait3A_74 = arith.constant 0 : i32
    %dma_wait3A_75 = tpu.memref_slice %arg5[%dma_wait3A, %dma_wait3A_74] : memref<200x32xi32, #tpu.memory_space<vmem>> -> memref<1x32xi32, #tpu.memory_space<vmem>>
    %dma_wait3A_76 = tpu.memref_squeeze %dma_wait3A_75 : memref<1x32xi32, #tpu.memory_space<vmem>> -> memref<32xi32, #tpu.memory_space<vmem>>
    %dma_wait3A_77 = arith.constant 0 : i32
    %dma_wait3A_78 = arith.constant 0 : i32
    %dma_wait3A_79 = tpu.memref_slice %arg3[%dma_wait3A_77, %dma_wait3A_78] : memref<100000x128xf32, #tpu.memory_space<hbm>> -> memref<100000x128xf32, #tpu.memory_space<hbm>>
    tpu.wait_indirect_dma semaphore(%arg16 : memref<!tpu.dma_semaphore, #tpu.memory_space<semaphore_mem>>) src(%dma_wait3A_79 : memref<100000x128xf32, #tpu.memory_space<hbm>>) dst(%arg6 : memref<32x128xf32, #tpu.memory_space<vmem>>)
    %dma_start3A_80 = arith.constant 190 : i32
    %dma_start3A_81 = arith.constant 0 : i32
    %dma_start3A_82 = arith.constant 0 : i32
    %dma_start3A_83 = tpu.memref_slice %arg4[%add3A, %dma_start3A_80, %dma_start3A_81, %dma_start3A_82] : memref<32x200x32x128xf32, #tpu.memory_space<hbm>> -> memref<1x1x32x128xf32, #tpu.memory_space<hbm>>
    %dma_start3A_84 = tpu.memref_squeeze %dma_start3A_83 : memref<1x1x32x128xf32, #tpu.memory_space<hbm>> -> memref<32x128xf32, #tpu.memory_space<hbm>>
    %dma_start3A_85 = arith.constant 0 : i32
    %dma_start3A_86 = arith.constant 0 : i32
    %dma_start3A_87 = tpu.memref_slice %arg4[%add3A, %dma_start3A_80, %dma_start3A_85, %dma_start3A_86] : memref<32x200x32x128xf32, #tpu.memory_space<hbm>> -> memref<1x1x32x128xf32, #tpu.memory_space<hbm>>
    %dma_start3A_88 = tpu.memref_squeeze %dma_start3A_87 : memref<1x1x32x128xf32, #tpu.memory_space<hbm>> -> memref<32x128xf32, #tpu.memory_space<hbm>>
    tpu.enqueue_dma source(%arg6 : memref<32x128xf32, #tpu.memory_space<vmem>>) target(%dma_start3A_88 : memref<32x128xf32, #tpu.memory_space<hbm>>) target_semaphore(%arg26 : memref<!tpu.dma_semaphore, #tpu.memory_space<semaphore_mem>>)
    %dma_wait3A_89 = arith.constant 0 : i32
    %dma_wait3A_90 = arith.constant 0 : i32
    %dma_wait3A_91 = tpu.memref_slice %arg5[%dma_wait3A_89, %dma_wait3A_90] : memref<200x32xi32, #tpu.memory_space<vmem>> -> memref<1x32xi32, #tpu.memory_space<vmem>>
    %dma_wait3A_92 = tpu.memref_squeeze %dma_wait3A_91 : memref<1x32xi32, #tpu.memory_space<vmem>> -> memref<32xi32, #tpu.memory_space<vmem>>
    %dma_wait3A_93 = arith.constant 0 : i32
    %dma_wait3A_94 = arith.constant 0 : i32
    %dma_wait3A_95 = tpu.memref_slice %arg3[%dma_wait3A_93, %dma_wait3A_94] : memref<100000x128xf32, #tpu.memory_space<hbm>> -> memref<100000x128xf32, #tpu.memory_space<hbm>>
    tpu.wait_indirect_dma semaphore(%arg17 : memref<!tpu.dma_semaphore, #tpu.memory_space<semaphore_mem>>) src(%dma_wait3A_95 : memref<100000x128xf32, #tpu.memory_space<hbm>>) dst(%arg7 : memref<32x128xf32, #tpu.memory_space<vmem>>)
    %dma_start3A_96 = arith.constant 191 : i32
    %dma_start3A_97 = arith.constant 0 : i32
    %dma_start3A_98 = arith.constant 0 : i32
    %dma_start3A_99 = tpu.memref_slice %arg4[%add3A, %dma_start3A_96, %dma_start3A_97, %dma_start3A_98] : memref<32x200x32x128xf32, #tpu.memory_space<hbm>> -> memref<1x1x32x128xf32, #tpu.memory_space<hbm>>
    %dma_start3A_100 = tpu.memref_squeeze %dma_start3A_99 : memref<1x1x32x128xf32, #tpu.memory_space<hbm>> -> memref<32x128xf32, #tpu.memory_space<hbm>>
    %dma_start3A_101 = arith.constant 0 : i32
    %dma_start3A_102 = arith.constant 0 : i32
    %dma_start3A_103 = tpu.memref_slice %arg4[%add3A, %dma_start3A_96, %dma_start3A_101, %dma_start3A_102] : memref<32x200x32x128xf32, #tpu.memory_space<hbm>> -> memref<1x1x32x128xf32, #tpu.memory_space<hbm>>
    %dma_start3A_104 = tpu.memref_squeeze %dma_start3A_103 : memref<1x1x32x128xf32, #tpu.memory_space<hbm>> -> memref<32x128xf32, #tpu.memory_space<hbm>>
    tpu.enqueue_dma source(%arg7 : memref<32x128xf32, #tpu.memory_space<vmem>>) target(%dma_start3A_104 : memref<32x128xf32, #tpu.memory_space<hbm>>) target_semaphore(%arg27 : memref<!tpu.dma_semaphore, #tpu.memory_space<semaphore_mem>>)
    %dma_wait3A_105 = arith.constant 0 : i32
    %dma_wait3A_106 = arith.constant 0 : i32
    %dma_wait3A_107 = tpu.memref_slice %arg5[%dma_wait3A_105, %dma_wait3A_106] : memref<200x32xi32, #tpu.memory_space<vmem>> -> memref<1x32xi32, #tpu.memory_space<vmem>>
    %dma_wait3A_108 = tpu.memref_squeeze %dma_wait3A_107 : memref<1x32xi32, #tpu.memory_space<vmem>> -> memref<32xi32, #tpu.memory_space<vmem>>
    %dma_wait3A_109 = arith.constant 0 : i32
    %dma_wait3A_110 = arith.constant 0 : i32
    %dma_wait3A_111 = tpu.memref_slice %arg3[%dma_wait3A_109, %dma_wait3A_110] : memref<100000x128xf32, #tpu.memory_space<hbm>> -> memref<100000x128xf32, #tpu.memory_space<hbm>>
    tpu.wait_indirect_dma semaphore(%arg18 : memref<!tpu.dma_semaphore, #tpu.memory_space<semaphore_mem>>) src(%dma_wait3A_111 : memref<100000x128xf32, #tpu.memory_space<hbm>>) dst(%arg8 : memref<32x128xf32, #tpu.memory_space<vmem>>)
    %dma_start3A_112 = arith.constant 192 : i32
    %dma_start3A_113 = arith.constant 0 : i32
    %dma_start3A_114 = arith.constant 0 : i32
    %dma_start3A_115 = tpu.memref_slice %arg4[%add3A, %dma_start3A_112, %dma_start3A_113, %dma_start3A_114] : memref<32x200x32x128xf32, #tpu.memory_space<hbm>> -> memref<1x1x32x128xf32, #tpu.memory_space<hbm>>
    %dma_start3A_116 = tpu.memref_squeeze %dma_start3A_115 : memref<1x1x32x128xf32, #tpu.memory_space<hbm>> -> memref<32x128xf32, #tpu.memory_space<hbm>>
    %dma_start3A_117 = arith.constant 0 : i32
    %dma_start3A_118 = arith.constant 0 : i32
    %dma_start3A_119 = tpu.memref_slice %arg4[%add3A, %dma_start3A_112, %dma_start3A_117, %dma_start3A_118] : memref<32x200x32x128xf32, #tpu.memory_space<hbm>> -> memref<1x1x32x128xf32, #tpu.memory_space<hbm>>
    %dma_start3A_120 = tpu.memref_squeeze %dma_start3A_119 : memref<1x1x32x128xf32, #tpu.memory_space<hbm>> -> memref<32x128xf32, #tpu.memory_space<hbm>>
    tpu.enqueue_dma source(%arg8 : memref<32x128xf32, #tpu.memory_space<vmem>>) target(%dma_start3A_120 : memref<32x128xf32, #tpu.memory_space<hbm>>) target_semaphore(%arg28 : memref<!tpu.dma_semaphore, #tpu.memory_space<semaphore_mem>>)
    %dma_wait3A_121 = arith.constant 0 : i32
    %dma_wait3A_122 = arith.constant 0 : i32
    %dma_wait3A_123 = tpu.memref_slice %arg5[%dma_wait3A_121, %dma_wait3A_122] : memref<200x32xi32, #tpu.memory_space<vmem>> -> memref<1x32xi32, #tpu.memory_space<vmem>>
    %dma_wait3A_124 = tpu.memref_squeeze %dma_wait3A_123 : memref<1x32xi32, #tpu.memory_space<vmem>> -> memref<32xi32, #tpu.memory_space<vmem>>
    %dma_wait3A_125 = arith.constant 0 : i32
    %dma_wait3A_126 = arith.constant 0 : i32
    %dma_wait3A_127 = tpu.memref_slice %arg3[%dma_wait3A_125, %dma_wait3A_126] : memref<100000x128xf32, #tpu.memory_space<hbm>> -> memref<100000x128xf32, #tpu.memory_space<hbm>>
    tpu.wait_indirect_dma semaphore(%arg19 : memref<!tpu.dma_semaphore, #tpu.memory_space<semaphore_mem>>) src(%dma_wait3A_127 : memref<100000x128xf32, #tpu.memory_space<hbm>>) dst(%arg9 : memref<32x128xf32, #tpu.memory_space<vmem>>)
    %dma_start3A_128 = arith.constant 193 : i32
    %dma_start3A_129 = arith.constant 0 : i32
    %dma_start3A_130 = arith.constant 0 : i32
    %dma_start3A_131 = tpu.memref_slice %arg4[%add3A, %dma_start3A_128, %dma_start3A_129, %dma_start3A_130] : memref<32x200x32x128xf32, #tpu.memory_space<hbm>> -> memref<1x1x32x128xf32, #tpu.memory_space<hbm>>
    %dma_start3A_132 = tpu.memref_squeeze %dma_start3A_131 : memref<1x1x32x128xf32, #tpu.memory_space<hbm>> -> memref<32x128xf32, #tpu.memory_space<hbm>>
    %dma_start3A_133 = arith.constant 0 : i32
    %dma_start3A_134 = arith.constant 0 : i32
    %dma_start3A_135 = tpu.memref_slice %arg4[%add3A, %dma_start3A_128, %dma_start3A_133, %dma_start3A_134] : memref<32x200x32x128xf32, #tpu.memory_space<hbm>> -> memref<1x1x32x128xf32, #tpu.memory_space<hbm>>
    %dma_start3A_136 = tpu.memref_squeeze %dma_start3A_135 : memref<1x1x32x128xf32, #tpu.memory_space<hbm>> -> memref<32x128xf32, #tpu.memory_space<hbm>>
    tpu.enqueue_dma source(%arg9 : memref<32x128xf32, #tpu.memory_space<vmem>>) target(%dma_start3A_136 : memref<32x128xf32, #tpu.memory_space<hbm>>) target_semaphore(%arg29 : memref<!tpu.dma_semaphore, #tpu.memory_space<semaphore_mem>>)
    %dma_wait3A_137 = arith.constant 0 : i32
    %dma_wait3A_138 = arith.constant 0 : i32
    %dma_wait3A_139 = tpu.memref_slice %arg5[%dma_wait3A_137, %dma_wait3A_138] : memref<200x32xi32, #tpu.memory_space<vmem>> -> memref<1x32xi32, #tpu.memory_space<vmem>>
    %dma_wait3A_140 = tpu.memref_squeeze %dma_wait3A_139 : memref<1x32xi32, #tpu.memory_space<vmem>> -> memref<32xi32, #tpu.memory_space<vmem>>
    %dma_wait3A_141 = arith.constant 0 : i32
    %dma_wait3A_142 = arith.constant 0 : i32
    %dma_wait3A_143 = tpu.memref_slice %arg3[%dma_wait3A_141, %dma_wait3A_142] : memref<100000x128xf32, #tpu.memory_space<hbm>> -> memref<100000x128xf32, #tpu.memory_space<hbm>>
    tpu.wait_indirect_dma semaphore(%arg20 : memref<!tpu.dma_semaphore, #tpu.memory_space<semaphore_mem>>) src(%dma_wait3A_143 : memref<100000x128xf32, #tpu.memory_space<hbm>>) dst(%arg10 : memref<32x128xf32, #tpu.memory_space<vmem>>)
    %dma_start3A_144 = arith.constant 194 : i32
    %dma_start3A_145 = arith.constant 0 : i32
    %dma_start3A_146 = arith.constant 0 : i32
    %dma_start3A_147 = tpu.memref_slice %arg4[%add3A, %dma_start3A_144, %dma_start3A_145, %dma_start3A_146] : memref<32x200x32x128xf32, #tpu.memory_space<hbm>> -> memref<1x1x32x128xf32, #tpu.memory_space<hbm>>
    %dma_start3A_148 = tpu.memref_squeeze %dma_start3A_147 : memref<1x1x32x128xf32, #tpu.memory_space<hbm>> -> memref<32x128xf32, #tpu.memory_space<hbm>>
    %dma_start3A_149 = arith.constant 0 : i32
    %dma_start3A_150 = arith.constant 0 : i32
    %dma_start3A_151 = tpu.memref_slice %arg4[%add3A, %dma_start3A_144, %dma_start3A_149, %dma_start3A_150] : memref<32x200x32x128xf32, #tpu.memory_space<hbm>> -> memref<1x1x32x128xf32, #tpu.memory_space<hbm>>
    %dma_start3A_152 = tpu.memref_squeeze %dma_start3A_151 : memref<1x1x32x128xf32, #tpu.memory_space<hbm>> -> memref<32x128xf32, #tpu.memory_space<hbm>>
    tpu.enqueue_dma source(%arg10 : memref<32x128xf32, #tpu.memory_space<vmem>>) target(%dma_start3A_152 : memref<32x128xf32, #tpu.memory_space<hbm>>) target_semaphore(%arg30 : memref<!tpu.dma_semaphore, #tpu.memory_space<semaphore_mem>>)
    %dma_wait3A_153 = arith.constant 0 : i32
    %dma_wait3A_154 = arith.constant 0 : i32
    %dma_wait3A_155 = tpu.memref_slice %arg5[%dma_wait3A_153, %dma_wait3A_154] : memref<200x32xi32, #tpu.memory_space<vmem>> -> memref<1x32xi32, #tpu.memory_space<vmem>>
    %dma_wait3A_156 = tpu.memref_squeeze %dma_wait3A_155 : memref<1x32xi32, #tpu.memory_space<vmem>> -> memref<32xi32, #tpu.memory_space<vmem>>
    %dma_wait3A_157 = arith.constant 0 : i32
    %dma_wait3A_158 = arith.constant 0 : i32
    %dma_wait3A_159 = tpu.memref_slice %arg3[%dma_wait3A_157, %dma_wait3A_158] : memref<100000x128xf32, #tpu.memory_space<hbm>> -> memref<100000x128xf32, #tpu.memory_space<hbm>>
    tpu.wait_indirect_dma semaphore(%arg21 : memref<!tpu.dma_semaphore, #tpu.memory_space<semaphore_mem>>) src(%dma_wait3A_159 : memref<100000x128xf32, #tpu.memory_space<hbm>>) dst(%arg11 : memref<32x128xf32, #tpu.memory_space<vmem>>)
    %dma_start3A_160 = arith.constant 195 : i32
    %dma_start3A_161 = arith.constant 0 : i32
    %dma_start3A_162 = arith.constant 0 : i32
    %dma_start3A_163 = tpu.memref_slice %arg4[%add3A, %dma_start3A_160, %dma_start3A_161, %dma_start3A_162] : memref<32x200x32x128xf32, #tpu.memory_space<hbm>> -> memref<1x1x32x128xf32, #tpu.memory_space<hbm>>
    %dma_start3A_164 = tpu.memref_squeeze %dma_start3A_163 : memref<1x1x32x128xf32, #tpu.memory_space<hbm>> -> memref<32x128xf32, #tpu.memory_space<hbm>>
    %dma_start3A_165 = arith.constant 0 : i32
    %dma_start3A_166 = arith.constant 0 : i32
    %dma_start3A_167 = tpu.memref_slice %arg4[%add3A, %dma_start3A_160, %dma_start3A_165, %dma_start3A_166] : memref<32x200x32x128xf32, #tpu.memory_space<hbm>> -> memref<1x1x32x128xf32, #tpu.memory_space<hbm>>
    %dma_start3A_168 = tpu.memref_squeeze %dma_start3A_167 : memref<1x1x32x128xf32, #tpu.memory_space<hbm>> -> memref<32x128xf32, #tpu.memory_space<hbm>>
    tpu.enqueue_dma source(%arg11 : memref<32x128xf32, #tpu.memory_space<vmem>>) target(%dma_start3A_168 : memref<32x128xf32, #tpu.memory_space<hbm>>) target_semaphore(%arg31 : memref<!tpu.dma_semaphore, #tpu.memory_space<semaphore_mem>>)
    %dma_wait3A_169 = arith.constant 0 : i32
    %dma_wait3A_170 = arith.constant 0 : i32
    %dma_wait3A_171 = tpu.memref_slice %arg5[%dma_wait3A_169, %dma_wait3A_170] : memref<200x32xi32, #tpu.memory_space<vmem>> -> memref<1x32xi32, #tpu.memory_space<vmem>>
    %dma_wait3A_172 = tpu.memref_squeeze %dma_wait3A_171 : memref<1x32xi32, #tpu.memory_space<vmem>> -> memref<32xi32, #tpu.memory_space<vmem>>
    %dma_wait3A_173 = arith.constant 0 : i32
    %dma_wait3A_174 = arith.constant 0 : i32
    %dma_wait3A_175 = tpu.memref_slice %arg3[%dma_wait3A_173, %dma_wait3A_174] : memref<100000x128xf32, #tpu.memory_space<hbm>> -> memref<100000x128xf32, #tpu.memory_space<hbm>>
    tpu.wait_indirect_dma semaphore(%arg22 : memref<!tpu.dma_semaphore, #tpu.memory_space<semaphore_mem>>) src(%dma_wait3A_175 : memref<100000x128xf32, #tpu.memory_space<hbm>>) dst(%arg12 : memref<32x128xf32, #tpu.memory_space<vmem>>)
    %dma_start3A_176 = arith.constant 196 : i32
    %dma_start3A_177 = arith.constant 0 : i32
    %dma_start3A_178 = arith.constant 0 : i32
    %dma_start3A_179 = tpu.memref_slice %arg4[%add3A, %dma_start3A_176, %dma_start3A_177, %dma_start3A_178] : memref<32x200x32x128xf32, #tpu.memory_space<hbm>> -> memref<1x1x32x128xf32, #tpu.memory_space<hbm>>
    %dma_start3A_180 = tpu.memref_squeeze %dma_start3A_179 : memref<1x1x32x128xf32, #tpu.memory_space<hbm>> -> memref<32x128xf32, #tpu.memory_space<hbm>>
    %dma_start3A_181 = arith.constant 0 : i32
    %dma_start3A_182 = arith.constant 0 : i32
    %dma_start3A_183 = tpu.memref_slice %arg4[%add3A, %dma_start3A_176, %dma_start3A_181, %dma_start3A_182] : memref<32x200x32x128xf32, #tpu.memory_space<hbm>> -> memref<1x1x32x128xf32, #tpu.memory_space<hbm>>
    %dma_start3A_184 = tpu.memref_squeeze %dma_start3A_183 : memref<1x1x32x128xf32, #tpu.memory_space<hbm>> -> memref<32x128xf32, #tpu.memory_space<hbm>>
    tpu.enqueue_dma source(%arg12 : memref<32x128xf32, #tpu.memory_space<vmem>>) target(%dma_start3A_184 : memref<32x128xf32, #tpu.memory_space<hbm>>) target_semaphore(%arg32 : memref<!tpu.dma_semaphore, #tpu.memory_space<semaphore_mem>>)
    %dma_wait3A_185 = arith.constant 0 : i32
    %dma_wait3A_186 = arith.constant 0 : i32
    %dma_wait3A_187 = tpu.memref_slice %arg5[%dma_wait3A_185, %dma_wait3A_186] : memref<200x32xi32, #tpu.memory_space<vmem>> -> memref<1x32xi32, #tpu.memory_space<vmem>>
    %dma_wait3A_188 = tpu.memref_squeeze %dma_wait3A_187 : memref<1x32xi32, #tpu.memory_space<vmem>> -> memref<32xi32, #tpu.memory_space<vmem>>
    %dma_wait3A_189 = arith.constant 0 : i32
    %dma_wait3A_190 = arith.constant 0 : i32
    %dma_wait3A_191 = tpu.memref_slice %arg3[%dma_wait3A_189, %dma_wait3A_190] : memref<100000x128xf32, #tpu.memory_space<hbm>> -> memref<100000x128xf32, #tpu.memory_space<hbm>>
    tpu.wait_indirect_dma semaphore(%arg23 : memref<!tpu.dma_semaphore, #tpu.memory_space<semaphore_mem>>) src(%dma_wait3A_191 : memref<100000x128xf32, #tpu.memory_space<hbm>>) dst(%arg13 : memref<32x128xf32, #tpu.memory_space<vmem>>)
    %dma_start3A_192 = arith.constant 197 : i32
    %dma_start3A_193 = arith.constant 0 : i32
    %dma_start3A_194 = arith.constant 0 : i32
    %dma_start3A_195 = tpu.memref_slice %arg4[%add3A, %dma_start3A_192, %dma_start3A_193, %dma_start3A_194] : memref<32x200x32x128xf32, #tpu.memory_space<hbm>> -> memref<1x1x32x128xf32, #tpu.memory_space<hbm>>
    %dma_start3A_196 = tpu.memref_squeeze %dma_start3A_195 : memref<1x1x32x128xf32, #tpu.memory_space<hbm>> -> memref<32x128xf32, #tpu.memory_space<hbm>>
    %dma_start3A_197 = arith.constant 0 : i32
    %dma_start3A_198 = arith.constant 0 : i32
    %dma_start3A_199 = tpu.memref_slice %arg4[%add3A, %dma_start3A_192, %dma_start3A_197, %dma_start3A_198] : memref<32x200x32x128xf32, #tpu.memory_space<hbm>> -> memref<1x1x32x128xf32, #tpu.memory_space<hbm>>
    %dma_start3A_200 = tpu.memref_squeeze %dma_start3A_199 : memref<1x1x32x128xf32, #tpu.memory_space<hbm>> -> memref<32x128xf32, #tpu.memory_space<hbm>>
    tpu.enqueue_dma source(%arg13 : memref<32x128xf32, #tpu.memory_space<vmem>>) target(%dma_start3A_200 : memref<32x128xf32, #tpu.memory_space<hbm>>) target_semaphore(%arg33 : memref<!tpu.dma_semaphore, #tpu.memory_space<semaphore_mem>>)
    %dma_wait3A_201 = arith.constant 0 : i32
    %dma_wait3A_202 = arith.constant 0 : i32
    %dma_wait3A_203 = tpu.memref_slice %arg5[%dma_wait3A_201, %dma_wait3A_202] : memref<200x32xi32, #tpu.memory_space<vmem>> -> memref<1x32xi32, #tpu.memory_space<vmem>>
    %dma_wait3A_204 = tpu.memref_squeeze %dma_wait3A_203 : memref<1x32xi32, #tpu.memory_space<vmem>> -> memref<32xi32, #tpu.memory_space<vmem>>
    %dma_wait3A_205 = arith.constant 0 : i32
    %dma_wait3A_206 = arith.constant 0 : i32
    %dma_wait3A_207 = tpu.memref_slice %arg3[%dma_wait3A_205, %dma_wait3A_206] : memref<100000x128xf32, #tpu.memory_space<hbm>> -> memref<100000x128xf32, #tpu.memory_space<hbm>>
    tpu.wait_indirect_dma semaphore(%arg24 : memref<!tpu.dma_semaphore, #tpu.memory_space<semaphore_mem>>) src(%dma_wait3A_207 : memref<100000x128xf32, #tpu.memory_space<hbm>>) dst(%arg14 : memref<32x128xf32, #tpu.memory_space<vmem>>)
    %dma_start3A_208 = arith.constant 198 : i32
    %dma_start3A_209 = arith.constant 0 : i32
    %dma_start3A_210 = arith.constant 0 : i32
    %dma_start3A_211 = tpu.memref_slice %arg4[%add3A, %dma_start3A_208, %dma_start3A_209, %dma_start3A_210] : memref<32x200x32x128xf32, #tpu.memory_space<hbm>> -> memref<1x1x32x128xf32, #tpu.memory_space<hbm>>
    %dma_start3A_212 = tpu.memref_squeeze %dma_start3A_211 : memref<1x1x32x128xf32, #tpu.memory_space<hbm>> -> memref<32x128xf32, #tpu.memory_space<hbm>>
    %dma_start3A_213 = arith.constant 0 : i32
    %dma_start3A_214 = arith.constant 0 : i32
    %dma_start3A_215 = tpu.memref_slice %arg4[%add3A, %dma_start3A_208, %dma_start3A_213, %dma_start3A_214] : memref<32x200x32x128xf32, #tpu.memory_space<hbm>> -> memref<1x1x32x128xf32, #tpu.memory_space<hbm>>
    %dma_start3A_216 = tpu.memref_squeeze %dma_start3A_215 : memref<1x1x32x128xf32, #tpu.memory_space<hbm>> -> memref<32x128xf32, #tpu.memory_space<hbm>>
    tpu.enqueue_dma source(%arg14 : memref<32x128xf32, #tpu.memory_space<vmem>>) target(%dma_start3A_216 : memref<32x128xf32, #tpu.memory_space<hbm>>) target_semaphore(%arg34 : memref<!tpu.dma_semaphore, #tpu.memory_space<semaphore_mem>>)
    %dma_wait3A_217 = arith.constant 0 : i32
    %dma_wait3A_218 = arith.constant 0 : i32
    %dma_wait3A_219 = tpu.memref_slice %arg5[%dma_wait3A_217, %dma_wait3A_218] : memref<200x32xi32, #tpu.memory_space<vmem>> -> memref<1x32xi32, #tpu.memory_space<vmem>>
    %dma_wait3A_220 = tpu.memref_squeeze %dma_wait3A_219 : memref<1x32xi32, #tpu.memory_space<vmem>> -> memref<32xi32, #tpu.memory_space<vmem>>
    %dma_wait3A_221 = arith.constant 0 : i32
    %dma_wait3A_222 = arith.constant 0 : i32
    %dma_wait3A_223 = tpu.memref_slice %arg3[%dma_wait3A_221, %dma_wait3A_222] : memref<100000x128xf32, #tpu.memory_space<hbm>> -> memref<100000x128xf32, #tpu.memory_space<hbm>>
    tpu.wait_indirect_dma semaphore(%arg25 : memref<!tpu.dma_semaphore, #tpu.memory_space<semaphore_mem>>) src(%dma_wait3A_223 : memref<100000x128xf32, #tpu.memory_space<hbm>>) dst(%arg15 : memref<32x128xf32, #tpu.memory_space<vmem>>)
    %dma_start3A_224 = arith.constant 199 : i32
    %dma_start3A_225 = arith.constant 0 : i32
    %dma_start3A_226 = arith.constant 0 : i32
    %dma_start3A_227 = tpu.memref_slice %arg4[%add3A, %dma_start3A_224, %dma_start3A_225, %dma_start3A_226] : memref<32x200x32x128xf32, #tpu.memory_space<hbm>> -> memref<1x1x32x128xf32, #tpu.memory_space<hbm>>
    %dma_start3A_228 = tpu.memref_squeeze %dma_start3A_227 : memref<1x1x32x128xf32, #tpu.memory_space<hbm>> -> memref<32x128xf32, #tpu.memory_space<hbm>>
    %dma_start3A_229 = arith.constant 0 : i32
    %dma_start3A_230 = arith.constant 0 : i32
    %dma_start3A_231 = tpu.memref_slice %arg4[%add3A, %dma_start3A_224, %dma_start3A_229, %dma_start3A_230] : memref<32x200x32x128xf32, #tpu.memory_space<hbm>> -> memref<1x1x32x128xf32, #tpu.memory_space<hbm>>
    %dma_start3A_232 = tpu.memref_squeeze %dma_start3A_231 : memref<1x1x32x128xf32, #tpu.memory_space<hbm>> -> memref<32x128xf32, #tpu.memory_space<hbm>>
    tpu.enqueue_dma source(%arg15 : memref<32x128xf32, #tpu.memory_space<vmem>>) target(%dma_start3A_232 : memref<32x128xf32, #tpu.memory_space<hbm>>) target_semaphore(%arg35 : memref<!tpu.dma_semaphore, #tpu.memory_space<semaphore_mem>>)
    %dma_wait3A_233 = arith.constant 0 : i32
    %dma_wait3A_234 = arith.constant 0 : i32
    %dma_wait3A_235 = arith.constant 0 : i32
    %dma_wait3A_236 = tpu.memref_slice %arg4[%add3A, %dma_wait3A_233, %dma_wait3A_234, %dma_wait3A_235] : memref<32x200x32x128xf32, #tpu.memory_space<hbm>> -> memref<1x1x32x128xf32, #tpu.memory_space<hbm>>
    %dma_wait3A_237 = tpu.memref_squeeze %dma_wait3A_236 : memref<1x1x32x128xf32, #tpu.memory_space<hbm>> -> memref<32x128xf32, #tpu.memory_space<hbm>>
    %dma_wait3A_238 = arith.constant 0 : i32
    %dma_wait3A_239 = arith.constant 0 : i32
    %dma_wait3A_240 = tpu.memref_slice %arg4[%add3A, %dma_wait3A_233, %dma_wait3A_238, %dma_wait3A_239] : memref<32x200x32x128xf32, #tpu.memory_space<hbm>> -> memref<1x1x32x128xf32, #tpu.memory_space<hbm>>
    %dma_wait3A_241 = tpu.memref_squeeze %dma_wait3A_240 : memref<1x1x32x128xf32, #tpu.memory_space<hbm>> -> memref<32x128xf32, #tpu.memory_space<hbm>>
    tpu.wait_dma2 semaphore(%arg26 : memref<!tpu.dma_semaphore, #tpu.memory_space<semaphore_mem>>) src(%arg6 : memref<32x128xf32, #tpu.memory_space<vmem>>) dst(%dma_wait3A_241 : memref<32x128xf32, #tpu.memory_space<hbm>>)
    %dma_wait3A_242 = arith.constant 0 : i32
    %dma_wait3A_243 = arith.constant 0 : i32
    %dma_wait3A_244 = arith.constant 0 : i32
    %dma_wait3A_245 = tpu.memref_slice %arg4[%add3A, %dma_wait3A_242, %dma_wait3A_243, %dma_wait3A_244] : memref<32x200x32x128xf32, #tpu.memory_space<hbm>> -> memref<1x1x32x128xf32, #tpu.memory_space<hbm>>
    %dma_wait3A_246 = tpu.memref_squeeze %dma_wait3A_245 : memref<1x1x32x128xf32, #tpu.memory_space<hbm>> -> memref<32x128xf32, #tpu.memory_space<hbm>>
    %dma_wait3A_247 = arith.constant 0 : i32
    %dma_wait3A_248 = arith.constant 0 : i32
    %dma_wait3A_249 = tpu.memref_slice %arg4[%add3A, %dma_wait3A_242, %dma_wait3A_247, %dma_wait3A_248] : memref<32x200x32x128xf32, #tpu.memory_space<hbm>> -> memref<1x1x32x128xf32, #tpu.memory_space<hbm>>
    %dma_wait3A_250 = tpu.memref_squeeze %dma_wait3A_249 : memref<1x1x32x128xf32, #tpu.memory_space<hbm>> -> memref<32x128xf32, #tpu.memory_space<hbm>>
    tpu.wait_dma2 semaphore(%arg27 : memref<!tpu.dma_semaphore, #tpu.memory_space<semaphore_mem>>) src(%arg7 : memref<32x128xf32, #tpu.memory_space<vmem>>) dst(%dma_wait3A_250 : memref<32x128xf32, #tpu.memory_space<hbm>>)
    %dma_wait3A_251 = arith.constant 0 : i32
    %dma_wait3A_252 = arith.constant 0 : i32
    %dma_wait3A_253 = arith.constant 0 : i32
    %dma_wait3A_254 = tpu.memref_slice %arg4[%add3A, %dma_wait3A_251, %dma_wait3A_252, %dma_wait3A_253] : memref<32x200x32x128xf32, #tpu.memory_space<hbm>> -> memref<1x1x32x128xf32, #tpu.memory_space<hbm>>
    %dma_wait3A_255 = tpu.memref_squeeze %dma_wait3A_254 : memref<1x1x32x128xf32, #tpu.memory_space<hbm>> -> memref<32x128xf32, #tpu.memory_space<hbm>>
    %dma_wait3A_256 = arith.constant 0 : i32
    %dma_wait3A_257 = arith.constant 0 : i32
    %dma_wait3A_258 = tpu.memref_slice %arg4[%add3A, %dma_wait3A_251, %dma_wait3A_256, %dma_wait3A_257] : memref<32x200x32x128xf32, #tpu.memory_space<hbm>> -> memref<1x1x32x128xf32, #tpu.memory_space<hbm>>
    %dma_wait3A_259 = tpu.memref_squeeze %dma_wait3A_258 : memref<1x1x32x128xf32, #tpu.memory_space<hbm>> -> memref<32x128xf32, #tpu.memory_space<hbm>>
    tpu.wait_dma2 semaphore(%arg28 : memref<!tpu.dma_semaphore, #tpu.memory_space<semaphore_mem>>) src(%arg8 : memref<32x128xf32, #tpu.memory_space<vmem>>) dst(%dma_wait3A_259 : memref<32x128xf32, #tpu.memory_space<hbm>>)
    %dma_wait3A_260 = arith.constant 0 : i32
    %dma_wait3A_261 = arith.constant 0 : i32
    %dma_wait3A_262 = arith.constant 0 : i32
    %dma_wait3A_263 = tpu.memref_slice %arg4[%add3A, %dma_wait3A_260, %dma_wait3A_261, %dma_wait3A_262] : memref<32x200x32x128xf32, #tpu.memory_space<hbm>> -> memref<1x1x32x128xf32, #tpu.memory_space<hbm>>
    %dma_wait3A_264 = tpu.memref_squeeze %dma_wait3A_263 : memref<1x1x32x128xf32, #tpu.memory_space<hbm>> -> memref<32x128xf32, #tpu.memory_space<hbm>>
    %dma_wait3A_265 = arith.constant 0 : i32
    %dma_wait3A_266 = arith.constant 0 : i32
    %dma_wait3A_267 = tpu.memref_slice %arg4[%add3A, %dma_wait3A_260, %dma_wait3A_265, %dma_wait3A_266] : memref<32x200x32x128xf32, #tpu.memory_space<hbm>> -> memref<1x1x32x128xf32, #tpu.memory_space<hbm>>
    %dma_wait3A_268 = tpu.memref_squeeze %dma_wait3A_267 : memref<1x1x32x128xf32, #tpu.memory_space<hbm>> -> memref<32x128xf32, #tpu.memory_space<hbm>>
    tpu.wait_dma2 semaphore(%arg29 : memref<!tpu.dma_semaphore, #tpu.memory_space<semaphore_mem>>) src(%arg9 : memref<32x128xf32, #tpu.memory_space<vmem>>) dst(%dma_wait3A_268 : memref<32x128xf32, #tpu.memory_space<hbm>>)
    %dma_wait3A_269 = arith.constant 0 : i32
    %dma_wait3A_270 = arith.constant 0 : i32
    %dma_wait3A_271 = arith.constant 0 : i32
    %dma_wait3A_272 = tpu.memref_slice %arg4[%add3A, %dma_wait3A_269, %dma_wait3A_270, %dma_wait3A_271] : memref<32x200x32x128xf32, #tpu.memory_space<hbm>> -> memref<1x1x32x128xf32, #tpu.memory_space<hbm>>
    %dma_wait3A_273 = tpu.memref_squeeze %dma_wait3A_272 : memref<1x1x32x128xf32, #tpu.memory_space<hbm>> -> memref<32x128xf32, #tpu.memory_space<hbm>>
    %dma_wait3A_274 = arith.constant 0 : i32
    %dma_wait3A_275 = arith.constant 0 : i32
    %dma_wait3A_276 = tpu.memref_slice %arg4[%add3A, %dma_wait3A_269, %dma_wait3A_274, %dma_wait3A_275] : memref<32x200x32x128xf32, #tpu.memory_space<hbm>> -> memref<1x1x32x128xf32, #tpu.memory_space<hbm>>
    %dma_wait3A_277 = tpu.memref_squeeze %dma_wait3A_276 : memref<1x1x32x128xf32, #tpu.memory_space<hbm>> -> memref<32x128xf32, #tpu.memory_space<hbm>>
    tpu.wait_dma2 semaphore(%arg30 : memref<!tpu.dma_semaphore, #tpu.memory_space<semaphore_mem>>) src(%arg10 : memref<32x128xf32, #tpu.memory_space<vmem>>) dst(%dma_wait3A_277 : memref<32x128xf32, #tpu.memory_space<hbm>>)
    %dma_wait3A_278 = arith.constant 0 : i32
    %dma_wait3A_279 = arith.constant 0 : i32
    %dma_wait3A_280 = arith.constant 0 : i32
    %dma_wait3A_281 = tpu.memref_slice %arg4[%add3A, %dma_wait3A_278, %dma_wait3A_279, %dma_wait3A_280] : memref<32x200x32x128xf32, #tpu.memory_space<hbm>> -> memref<1x1x32x128xf32, #tpu.memory_space<hbm>>
    %dma_wait3A_282 = tpu.memref_squeeze %dma_wait3A_281 : memref<1x1x32x128xf32, #tpu.memory_space<hbm>> -> memref<32x128xf32, #tpu.memory_space<hbm>>
    %dma_wait3A_283 = arith.constant 0 : i32
    %dma_wait3A_284 = arith.constant 0 : i32
    %dma_wait3A_285 = tpu.memref_slice %arg4[%add3A, %dma_wait3A_278, %dma_wait3A_283, %dma_wait3A_284] : memref<32x200x32x128xf32, #tpu.memory_space<hbm>> -> memref<1x1x32x128xf32, #tpu.memory_space<hbm>>
    %dma_wait3A_286 = tpu.memref_squeeze %dma_wait3A_285 : memref<1x1x32x128xf32, #tpu.memory_space<hbm>> -> memref<32x128xf32, #tpu.memory_space<hbm>>
    tpu.wait_dma2 semaphore(%arg31 : memref<!tpu.dma_semaphore, #tpu.memory_space<semaphore_mem>>) src(%arg11 : memref<32x128xf32, #tpu.memory_space<vmem>>) dst(%dma_wait3A_286 : memref<32x128xf32, #tpu.memory_space<hbm>>)
    %dma_wait3A_287 = arith.constant 0 : i32
    %dma_wait3A_288 = arith.constant 0 : i32
    %dma_wait3A_289 = arith.constant 0 : i32
    %dma_wait3A_290 = tpu.memref_slice %arg4[%add3A, %dma_wait3A_287, %dma_wait3A_288, %dma_wait3A_289] : memref<32x200x32x128xf32, #tpu.memory_space<hbm>> -> memref<1x1x32x128xf32, #tpu.memory_space<hbm>>
    %dma_wait3A_291 = tpu.memref_squeeze %dma_wait3A_290 : memref<1x1x32x128xf32, #tpu.memory_space<hbm>> -> memref<32x128xf32, #tpu.memory_space<hbm>>
    %dma_wait3A_292 = arith.constant 0 : i32
    %dma_wait3A_293 = arith.constant 0 : i32
    %dma_wait3A_294 = tpu.memref_slice %arg4[%add3A, %dma_wait3A_287, %dma_wait3A_292, %dma_wait3A_293] : memref<32x200x32x128xf32, #tpu.memory_space<hbm>> -> memref<1x1x32x128xf32, #tpu.memory_space<hbm>>
    %dma_wait3A_295 = tpu.memref_squeeze %dma_wait3A_294 : memref<1x1x32x128xf32, #tpu.memory_space<hbm>> -> memref<32x128xf32, #tpu.memory_space<hbm>>
    tpu.wait_dma2 semaphore(%arg32 : memref<!tpu.dma_semaphore, #tpu.memory_space<semaphore_mem>>) src(%arg12 : memref<32x128xf32, #tpu.memory_space<vmem>>) dst(%dma_wait3A_295 : memref<32x128xf32, #tpu.memory_space<hbm>>)
    %dma_wait3A_296 = arith.constant 0 : i32
    %dma_wait3A_297 = arith.constant 0 : i32
    %dma_wait3A_298 = arith.constant 0 : i32
    %dma_wait3A_299 = tpu.memref_slice %arg4[%add3A, %dma_wait3A_296, %dma_wait3A_297, %dma_wait3A_298] : memref<32x200x32x128xf32, #tpu.memory_space<hbm>> -> memref<1x1x32x128xf32, #tpu.memory_space<hbm>>
    %dma_wait3A_300 = tpu.memref_squeeze %dma_wait3A_299 : memref<1x1x32x128xf32, #tpu.memory_space<hbm>> -> memref<32x128xf32, #tpu.memory_space<hbm>>
    %dma_wait3A_301 = arith.constant 0 : i32
    %dma_wait3A_302 = arith.constant 0 : i32
    %dma_wait3A_303 = tpu.memref_slice %arg4[%add3A, %dma_wait3A_296, %dma_wait3A_301, %dma_wait3A_302] : memref<32x200x32x128xf32, #tpu.memory_space<hbm>> -> memref<1x1x32x128xf32, #tpu.memory_space<hbm>>
    %dma_wait3A_304 = tpu.memref_squeeze %dma_wait3A_303 : memref<1x1x32x128xf32, #tpu.memory_space<hbm>> -> memref<32x128xf32, #tpu.memory_space<hbm>>
    tpu.wait_dma2 semaphore(%arg33 : memref<!tpu.dma_semaphore, #tpu.memory_space<semaphore_mem>>) src(%arg13 : memref<32x128xf32, #tpu.memory_space<vmem>>) dst(%dma_wait3A_304 : memref<32x128xf32, #tpu.memory_space<hbm>>)
    %dma_wait3A_305 = arith.constant 0 : i32
    %dma_wait3A_306 = arith.constant 0 : i32
    %dma_wait3A_307 = arith.constant 0 : i32
    %dma_wait3A_308 = tpu.memref_slice %arg4[%add3A, %dma_wait3A_305, %dma_wait3A_306, %dma_wait3A_307] : memref<32x200x32x128xf32, #tpu.memory_space<hbm>> -> memref<1x1x32x128xf32, #tpu.memory_space<hbm>>
    %dma_wait3A_309 = tpu.memref_squeeze %dma_wait3A_308 : memref<1x1x32x128xf32, #tpu.memory_space<hbm>> -> memref<32x128xf32, #tpu.memory_space<hbm>>
    %dma_wait3A_310 = arith.constant 0 : i32
    %dma_wait3A_311 = arith.constant 0 : i32
    %dma_wait3A_312 = tpu.memref_slice %arg4[%add3A, %dma_wait3A_305, %dma_wait3A_310, %dma_wait3A_311] : memref<32x200x32x128xf32, #tpu.memory_space<hbm>> -> memref<1x1x32x128xf32, #tpu.memory_space<hbm>>
    %dma_wait3A_313 = tpu.memref_squeeze %dma_wait3A_312 : memref<1x1x32x128xf32, #tpu.memory_space<hbm>> -> memref<32x128xf32, #tpu.memory_space<hbm>>
    tpu.wait_dma2 semaphore(%arg34 : memref<!tpu.dma_semaphore, #tpu.memory_space<semaphore_mem>>) src(%arg14 : memref<32x128xf32, #tpu.memory_space<vmem>>) dst(%dma_wait3A_313 : memref<32x128xf32, #tpu.memory_space<hbm>>)
    %dma_wait3A_314 = arith.constant 0 : i32
    %dma_wait3A_315 = arith.constant 0 : i32
    %dma_wait3A_316 = arith.constant 0 : i32
    %dma_wait3A_317 = tpu.memref_slice %arg4[%add3A, %dma_wait3A_314, %dma_wait3A_315, %dma_wait3A_316] : memref<32x200x32x128xf32, #tpu.memory_space<hbm>> -> memref<1x1x32x128xf32, #tpu.memory_space<hbm>>
    %dma_wait3A_318 = tpu.memref_squeeze %dma_wait3A_317 : memref<1x1x32x128xf32, #tpu.memory_space<hbm>> -> memref<32x128xf32, #tpu.memory_space<hbm>>
    %dma_wait3A_319 = arith.constant 0 : i32
    %dma_wait3A_320 = arith.constant 0 : i32
    %dma_wait3A_321 = tpu.memref_slice %arg4[%add3A, %dma_wait3A_314, %dma_wait3A_319, %dma_wait3A_320] : memref<32x200x32x128xf32, #tpu.memory_space<hbm>> -> memref<1x1x32x128xf32, #tpu.memory_space<hbm>>
    %dma_wait3A_322 = tpu.memref_squeeze %dma_wait3A_321 : memref<1x1x32x128xf32, #tpu.memory_space<hbm>> -> memref<32x128xf32, #tpu.memory_space<hbm>>
    tpu.wait_dma2 semaphore(%arg35 : memref<!tpu.dma_semaphore, #tpu.memory_space<semaphore_mem>>) src(%arg15 : memref<32x128xf32, #tpu.memory_space<vmem>>) dst(%dma_wait3A_322 : memref<32x128xf32, #tpu.memory_space<hbm>>)
    return
  }
}

</mosaic_0001>

<sc_bundles>
// kernel: kernel.3.cloned.1.call-start
scs
__scs_entry_jumppad:
0x0: {  	(pc) =	sbr.rel $0x88, $3  }
0x1: {  	(tag) =	ssettag $0x0;
	lr =	simm.s32 $0x1  }
0x2: {  	[smem:$0x3F9F] =	sst lr;
	_ =	strace $0xD0000000  }
0x3: {  	_ = 	snop  }
0x4: {  	_ = 	snop  }
0x5: {  	_ = 	snop  }
0x6: {  	_ = 	snop  }
0x7: {  	_ = 	snop  }
__scs_overlays_trampoline_lowered:
0x8: {  	[smem:$0x3FAE] =	sst s0  }
0x9: {  	[smem:$0x3FAF] =	sst s1  }
0xa: {  	[smem:$0x3FB0] =	sst s2  }
0xb: {  	[smem:$0x3FB1] =	sst s3  }
0xc: {  	[smem:$0x3FB2] =	sst s4  }
0xd: {  	[smem:$0x3FB3] =	sst s5  }
0xe: {  	[smem:$0x3FB4] =	sst s6  }
0xf: {  	[smem:$0x3FB5] =	sst s7  }
0x10: {  	[smem:$0x3FB6] =	sst s8  }
0x11: {  	[smem:$0x3FB7] =	sst s9;
	s0 =	simm.s32 @!p0 $0x0  }
0x12: {  	s1 =	sld [smem:$0x3F9D];
	s0 =	simm.s32 @p0 $0x1  }
0x13: {  	[smem:$0x3FB8] =	sst s0;
	s0 =	simm.s32 @!p1 $0x0  }
0x14: {  	s2 =	sld [smem:$0x3F9C];
	s0 =	simm.s32 @p1 $0x1  }
0x15: {  	[smem:$0x3FB9] =	sst s0;
	s0 =	simm.s32 @!p2 $0x0  }
0x16: {  	s3 =	sld [smem:$0x3FDB];
	s0 =	simm.s32 @p2 $0x1  }
0x17: {  	s4 =	simm.s32 $0x1BF5;
	[smem:$0x3FBB] =	sst s0  }
0x18: {  	s0 =	sld [smem:$0x3F9E];
	_ =	swait.ge [sflag:s4], $0x0  }
0x19: {  	s7 =	sld [smem:$0x3F9F]  }
0x1a: {  	s8 =	sadd.s32 $0xFFFFE003, lr  }
0x1b: {  	s9 =	sadd.s32 $0xFFFFFEF7, lr;
	s5 =	simm.s32 $0xFFFFFFFF;
	p2 =	slt.u32 s8, $0xFFFFF086  }
0x1c: {  	p1 =	slt.u32 s9, $0xF7A;
	s5 =	simm.s32 @!p2 $0x0  }
0x1d: {  	s5 =	simm.s32 @p1 $0x1;
	p0 =	seq.s32 s7, s2  }
0x1e: {  	s7 =	smul.u32 @!p0 $0xF7A, s2;
	p2 =	seq.s32 @!p0 s5, $0x0  }
0x1f: {  	s9 =	smul.u32 $0xF7A, s1;
	s8 =	simm.s32 @!p0 $0x1BF5;
	p2 =	por !p2, p0  }
0x20: {  	[sflag:s8] =	ssyncset.s32 @!p0 $0xFFFFF086;
	s6 =	sadd.s32 @!p0 s3, s7;
	s7 =	simm.s32 @!p0 $0x108  }
0x21: {  	s3 =	sadd.s32 s3, s9;
	s6 =	sadd.s32 @!p0 $0x88, s6;
	s7 =	simm.s32 @p2 $0x1082  }
0x22: {  	[simem:s7], [sflag:s8] =	dma.local @!p0 [hbm:s6], $0xF7A  }
0x23: {  	s9 =	sor.u32 $0xD0000000, s2;
	s6 =	simm.s32 $0x108;
	_ =	swait.ge @!p0 [sflag:s8], $0x0  }
0x24: {  	s3 =	sadd.s32 $0x88, s3;
	s6 =	simm.s32 @!p1 $0x1082;
	[sflag:s4] =	ssyncset.s32 $0xFFFFF086  }
0x25: {  	[simem:s6], [sflag:s4] =	dma.local [hbm:s3], $0xF7A  }
0x26: {  	[smem:$0x3F9F] =	sst s1;
	(tag) =	ssettag s2;
	_ =	strace s9  }
0x27: {  	s1 =	sld [smem:$0x3FAF]  }
0x28: {  	s2 =	sld [smem:$0x3FB0]  }
0x29: {  	s4 =	sld [smem:$0x3FB2]  }
0x2a: {  	p0 =	seq.s32 s5, $0x0;
	s5 =	sld [smem:$0x3FB3]  }
0x2b: {  	s6 =	sld [smem:$0x3FB4]  }
0x2c: {  	s7 =	sld [smem:$0x3FB5]  }
0x2d: {  	s3 =	simm.s32 $0x108;
	s8 =	sld [smem:$0x3FB6]  }
0x2e: {  	s3 =	simm.s32 @!p0 $0x1082;
	s9 =	sld [smem:$0x3FB7]  }
0x2f: {  	lr =	sadd.s32 s0, s3;
	s0 =	sld [smem:$0x3FAE]  }
0x30: {  	s3 =	sld [smem:$0x3FB1]  }
0x31: {  	[smem:$0x3FBA] =	sst s10  }
0x32: {  	s10 =	sld [smem:$0x3FB8];
	_ =	sdelay $0x3  }
0x33: {  	p0 =	seq.s32 s10, $0x1;
	s10 =	sld [smem:$0x3FBA];
	_ =	sdelay $0x3  }
0x34: {  	[smem:$0x3FBA] =	sst s10  }
0x35: {  	s10 =	sld [smem:$0x3FB9];
	_ =	sdelay $0x3  }
0x36: {  	p1 =	seq.s32 s10, $0x1;
	s10 =	sld [smem:$0x3FBA];
	_ =	sdelay $0x3  }
0x37: {  	[smem:$0x3FBA] =	sst s10  }
0x38: {  	s10 =	sld [smem:$0x3FBB]  }
0x39: {  	_ = 	snop;
	(pc) =	sbr.ind lr, $3  }
0x3a: {  	_ = 	snop  }
0x3b: {  	_ = 	snop  }
0x3c: {  	p2 =	seq.s32 s10, $0x1;
	s10 =	sld [smem:$0x3FBA]  }
0x3d: {  	_ =	shalt  }
0x3e: {  	_ =	shalt  }
0x3f: {  	_ =	shalt  }
0x40: {  	_ =	shalt  }
0x41: {  	_ =	shalt  }
0x42: {  	_ =	shalt  }
0x43: {  	_ =	shalt  }
0x44: {  	_ =	shalt  }
0x45: {  	_ =	shalt  }
0x46: {  	_ =	shalt  }
0x47: {  	_ =	shalt  }
0x48: {  	_ =	shalt  }
0x49: {  	_ =	shalt  }
0x4a: {  	_ =	shalt  }
0x4b: {  	_ =	shalt  }
0x4c: {  	_ =	shalt  }
0x4d: {  	_ =	shalt  }
0x4e: {  	_ =	shalt  }
0x4f: {  	_ =	shalt  }
0x50: {  	_ =	shalt  }
0x51: {  	_ =	shalt  }
0x52: {  	_ =	shalt  }
0x53: {  	_ =	shalt  }
0x54: {  	_ =	shalt  }
0x55: {  	_ =	shalt  }
0x56: {  	_ =	shalt  }
0x57: {  	_ =	shalt  }
0x58: {  	_ =	shalt  }
0x59: {  	_ =	shalt  }
0x5a: {  	_ =	shalt  }
0x5b: {  	_ =	shalt  }
0x5c: {  	_ =	shalt  }
0x5d: {  	_ =	shalt  }
0x5e: {  	_ =	shalt  }
0x5f: {  	_ =	shalt  }
0x60: {  	_ =	shalt  }
0x61: {  	_ =	shalt  }
0x62: {  	_ =	shalt  }
0x63: {  	_ =	shalt  }
0x64: {  	_ =	shalt  }
0x65: {  	_ =	shalt  }
0x66: {  	_ =	shalt  }
0x67: {  	_ =	shalt  }
0x68: {  	_ =	shalt  }
0x69: {  	_ =	shalt  }
0x6a: {  	_ =	shalt  }
0x6b: {  	_ =	shalt  }
0x6c: {  	_ =	shalt  }
0x6d: {  	_ =	shalt  }
0x6e: {  	_ =	shalt  }
0x6f: {  	_ =	shalt  }
0x70: {  	_ =	shalt  }
0x71: {  	_ =	shalt  }
0x72: {  	_ =	shalt  }
0x73: {  	_ =	shalt  }
0x74: {  	_ =	shalt  }
0x75: {  	_ =	shalt  }
0x76: {  	_ =	shalt  }
0x77: {  	_ =	shalt  }
0x78: {  	_ =	shalt  }
0x79: {  	_ =	shalt  }
0x7a: {  	_ =	shalt  }
0x7b: {  	_ =	shalt  }
0x7c: {  	_ =	shalt  }
0x7d: {  	_ =	shalt  }
0x7e: {  	_ =	shalt  }
0x7f: {  	_ =	shalt  }
0x80: {  	_ =	shalt  }
0x81: {  	_ =	shalt  }
0x82: {  	_ =	shalt  }
0x83: {  	_ =	shalt  }
0x84: {  	_ =	shalt  }
0x85: {  	_ =	shalt  }
0x86: {  	_ =	shalt  }
0x87: {  	_ =	shalt  }
.Lfunc_end0:
.L_simem_size_0:
called_computation_lowered:
.L_overlay_start_0:
0x88: {  	s2 =	sld [smem:$0x3FD9]  }
0x89: {  	s3 =	sld [smem:$0x3FFE];
	_ =	sdelay $0x1  }
0x8a: {  	s1 =	srdreg.scid  }
0x8b: {  	s0 =	sand.u32 $0x1, s1  }
0x8c: {  	s17 =	sshll.u32 s0, $0xA;
	s2 =	sadd.s32 s3, s2  }
0x8d: {  	s2 =	sadd.s32 s2, s17  }
0x8e: {  	[smem:$0x3FC6] =	sst s2  }
0x8f: {  	_ = 	snop  }
0x90: {  	s2 =	sld [smem:$0x3FC8]  }
0x91: {  	s18 =	sld [smem:$0x3FD0];
	(tm) =	ssettm $0x1  }
0x92: {  	s4 =	sld [smem:$0x3FFB];
	_ =	sdelay $0x3  }
0x93: {  	_ =	strace s4  }
0x94: {  	s4 =	sld [smem:$0x3FFC];
	_ =	sdelay $0x3  }
0x95: {  	_ =	strace s4  }
0x96: {  	s4 =	sld [smem:$0x3FFD];
	_ =	sdelay $0x3  }
0x97: {  	_ =	strace s4  }
0x98: {  	_ =	strace $0x8FFFFFFF  }
0x99: {  	s19 =	sld [smem:$0x3FDB];
	_ =	sdelay $0x1  }
0x9a: {  	s5 =	simm.s32 $_scs_section_size  }
0x9b: {  	s6 =	simm.s32 $_size__tile_overlayer_lowered;
	s7 =	simm.s32 $_tile_overlayer_lowered  }
0x9c: {  	s22 =	simm.s32 $0x1BFF;
	s21 =	sshll.u32 s7, $0x1;
	s4 =	sadd.s32 s5, s19  }
0x9d: {  	s8 =	simm.s32 $0x0;
	s20 =	sshll.u32 s6, $0x1;
	s6 =	sadd.s32 s21, s4  }
0x9e: {  	[timem:s8], [sflag:s22] =	dma.local [hbm:s6], s20  }
0x9f: {  	_ =	swait.ge [sflag:s22], s20  }
0xa0: {  	s5 =	ssub.s32 $0x0, s20;
	[sflag:s22] =	ssyncset.done $0x0  }
0xa1: {  	[sflag:s22] =	ssyncadd.s32 s5;
	_ =	sdelay $0x1  }
0xa2: {  	s23 =	simm.s32 $0x1B8B  }
0xa3: {  	_ =	swait.ge [sflag:s23], $0x1  }
0xa4: {  	[sflag:s23] =	ssyncset.done $0x0  }
0xa5: {  	s25 =	simm.s32 $0x1B8E;
	s24 =	sld [smem:$0x3FFE];
	[sflag:s23] =	ssyncadd.s32 $0xFFFFFFFF  }
0xa6: {  	s26 =	simm.s32 $execute0_lowered;
	[smem:$0x3FD2] =	sst s25  }
0xa7: {  	s6 =	sshll.u32 s26, $0x1;
	_ =	strace $0x80000046;
	[dreg:$0x1] =	wrdreg $0xFFFFFFFF  }
0xa8: {  	s28 =	simm.s32 $_size_execute0_lowered;
	s4 =	sadd.s32 s4, s6;
	[dreg:$0x0] =	wrdreg $0x0  }
0xa9: {  	s6 =	sshll.u32 s28, $0x1;
	[dreg:$0x2] =	wrdreg s4  }
0xaa: {  	[dreg:$0x3] =	wrdreg s6  }
0xab: {  	[dreg:$0x4] =	wrdreg $0xC0  }
0xac: {  	_ =	task [dreg:s8], $0x5FFFF  }
0xad: {  	[dreg:$0x1] =	wrdreg $0xFFFFFFFF  }
0xae: {  	[dreg:$0x0] =	wrdreg $0x60  }
0xaf: {  	[dreg:$0x2] =	wrdreg s24  }
0xb0: {  	[dreg:$0x3] =	wrdreg s2  }
0xb1: {  	[dreg:$0x4] =	wrdreg s18  }
0xb2: {  	[dreg:$0x5] =	wrdreg $0x9  }
0xb3: {  	_ =	task.clear_ibuf [dreg:s8], $0x6FFFF;
	_ =	strace $0x90000046  }
0xb4: {  	s29 =	simm.s32 $0x9;
	_ =	strace $0x80000048  }
0xb5: {  	_ =	swait.ge [sflag:s29], $0x1  }
0xb6: {  	[sflag:s29] =	ssyncadd.s32 $0xFFFFFFFF  }
0xb7: {  	_ =	strace $0x90000048  }
0xb8: {  	_ =	sfence  }
0xb9: {  	s30 =	sld [smem:$0x0];
	_ =	sdelay $0x2  }
0xba: {  	s31 =	sshll.u32 s1, $0xD;
	s1 =	sshrl.u32 s1, $0x2  }
0xbb: {  	s3 =	sand.u32 $0x4000, s31;
	s1 =	sadd.s32 s1, s30  }
0xbc: {  	s0 =	sor.u32 s3, s0;
	s1 =	sshll.u32 s1, $0x11  }
0xbd: {  	s0 =	sor.u32 s1, s0  }
0xbe: {  	s0 =	sadd.s32 $0x8F2B, s0  }
0xbf: {  	[sflag:s0] =	ssyncadd.remote.s32 $0x1  }
0xc0: {  	_ =	sfence.sel $0xFFFF  }
0xc1: {  	[dreg:$0x0] =	wrdreg $0xFFFFFFFF;
	(pc) =	sbr.abs _section_cstart, $3  }
0xc2: {  	[dreg:$0x1] =	wrdreg $0xFFFFFFFF  }
0xc3: {  	_ =	task.clear_ibuf [dreg:s8], $0x2FFFF;
	_ =	strace $0x9FFFFFFF  }
0xc4: {  	(tm) =	ssettm $0x7FFFFFFF  }
0xc5: {  	_ =	shalt  }
tec
execute0_lowered:
.L_overlay_start_1:
0x0: {  	(tag) =	ssettag $0x1  }
0x1: {  	s1 =	rddreg [dreg:$0x0];
	s0 =	srdreg.scid  }
0x2: {  	s8 =	stileid.u32;
	s2 =	rddreg [dreg:$0x1]  }
0x3: {  	s4 =	sand.u32 $0x1, s0;
	s3 =	sshll.u32 s8, $0x1;
	s25 =	smul.u32 $0x190000, s8  }
0x4: {  	s5 =	sor.u32 s4, s3;
	s7 =	ssub.s32 $0x2, s4;
	s4 =	smul.u32 $0xC8000, s4  }
0x5: {  	s0 =	rddreg [dreg:$0x2];
	s3 =	simm.s32 $0x0;
	s6 =	smul.u32 $0xC80, s5  }
0x6: {  	[smem:$0x7FF] =	sst s3;
	s5 =	smul.u32 $0xC8000, s5  }
0x7: {  	s24 =	sshrl.u32 s7, $0x1;
	_ =	strace $0x80000047;
	s4 =	sadd.s32 s4, s25  }
0x8: {  	s1 =	sadd.s32 s6, s1;
	s6 =	ssub.s32 s7, s24;
	s5 =	sshrl.u32 s5, $0x3  }
0x9: {  	s8 =	sadd.s32 $0x9000, s4;
	s10 =	sadd.s32 $0x8000, s4;
	s11 =	sor.u32 $0x7000, s4  }
0xa: {  	s15 =	sor.u32 $0x6000, s4;
	s17 =	sor.u32 $0x5000, s4;
	s18 =	sor.u32 $0x4000, s4  }
0xb: {  	s22 =	sor.u32 $0x3000, s4;
	s24 =	sor.u32 $0x2000, s4;
	s25 =	sor.u32 $0x1000, s4  }
0xc: {  	s4 =	sshrl.u32 s4, $0x3;
	s1 =	sadd.s32 $0x400, s1;
	s13 =	sshrl.u32 s11, $0x3  }
0xd: {  	s20 =	sshrl.u32 s18, $0x3;
	[dreg:$0xe] =	wrdreg s1;
	s14 =	sadd.s32 s13, s0  }
0xe: {  	s1 =	sadd.s32 s0, s5;
	s21 =	sadd.s32 s20, s0;
	[dreg:$0x6] =	wrdreg s14  }
0xf: {  	s16 =	sshrl.u32 s15, $0x3;
	s5 =	sadd.s32 $0x17C00, s1;
	[dreg:$0x9] =	wrdreg s21  }
0x10: {  	s23 =	sshrl.u32 s22, $0x3;
	s26 =	sadd.s32 $0x17E00, s1;
	[dreg:$0xf] =	wrdreg s5  }
0x11: {  	s11 =	simm.s32 $0xD;
	s28 =	sadd.s32 $0x18000, s1;
	[dreg:$0x10] =	wrdreg s26  }
0x12: {  	s15 =	simm.s32 $0x11;
	s29 =	sadd.s32 $0x18200, s1;
	[dreg:$0x11] =	wrdreg s28  }
0x13: {  	s18 =	simm.s32 $0x13;
	s30 =	sadd.s32 $0x18400, s1;
	[dreg:$0x12] =	wrdreg s29  }
0x14: {  	s13 =	simm.s32 $0xF;
	s31 =	sadd.s32 $0x18600, s1;
	[dreg:$0x13] =	wrdreg s30  }
0x15: {  	s20 =	simm.s32 $0x14;
	s7 =	sadd.s32 $0x18800, s1;
	[dreg:$0x14] =	wrdreg s31  }
0x16: {  	s9 =	sadd.s32 $0x18A00, s1;
	s14 =	simm.s32 $0x10;
	[dreg:$0x15] =	wrdreg s7  }
0x17: {  	[dreg:$0x16] =	wrdreg s9;
	s5 =	sshrl.u32 s8, $0x3;
	s7 =	sshrl.u32 s10, $0x3  }
0x18: {  	s28 =	sshrl.u32 s25, $0x3;
	s30 =	sadd.s32 $0x18C00, s1;
	s1 =	sadd.s32 $0x18E00, s1  }
0x19: {  	s31 =	smax.u32 s6, $0x1;
	s6 =	simm.s32 $0x8;
	[dreg:$0x17] =	wrdreg s30  }
0x1a: {  	s8 =	simm.s32 $0xA;
	s9 =	simm.s32 $0xB;
	[dreg:$0x18] =	wrdreg s1  }
0x1b: {  	s10 =	simm.s32 $0xC;
	s5 =	sadd.s32 s5, s0;
	[dreg:$0x19] =	wrdreg s31  }
0x1c: {  	s12 =	sadd.s32 s7, s0;
	s7 =	sshrl.u32 s17, $0x3;
	[dreg:$0x4] =	wrdreg s5  }
0x1d: {  	s29 =	sadd.s32 s28, s0;
	s17 =	simm.s32 $0x20;
	[dreg:$0x5] =	wrdreg s12  }
0x1e: {  	s5 =	sadd.s32 s16, s0;
	s19 =	sadd.s32 s7, s0;
	[dreg:$0xc] =	wrdreg s29  }
0x1f: {  	s7 =	sshrl.u32 s24, $0x3;
	s12 =	simm.s32 $0xE;
	[dreg:$0x7] =	wrdreg s5  }
0x20: {  	s16 =	simm.s32 $0x12;
	[dreg:$0x8] =	wrdreg s19;
	s5 =	sadd.s32 s23, s0  }
0x21: {  	s26 =	sadd.s32 s7, s0;
	s0 =	sadd.s32 s4, s0;
	[dreg:$0xa] =	wrdreg s5  }
0x22: {  	s4 =	simm.s32 $0x6;
	s7 =	simm.s32 $0x9;
	[dreg:$0xb] =	wrdreg s26  }
0x23: {  	[dreg:$0xd] =	wrdreg s0;
	s5 =	simm.s32 $0x7;
	s0 =	simm.s32 $0x0  }
.LBB2_1:
0x24: {  	[dreg:$0x1a] =	wrdreg s0  }
0x25: {  	s22 =	rddreg [dreg:$0xe];
	s29 =	simm.s32 $0x15  }
0x26: {  	[tilespmem:s3], [sflag:$0x15] =	stream.linear.gather [hbm4b:s22+s3], $0x6400, $0x38;
	[tilespmem:$0x10400] =	vst v63  }
0x27: {  	_ =	swait.ge [sflag:s29], $0x6400  }
0x28: {  	[sflag:s29] =	ssyncset.done $0x0  }
0x29: {  	s24 =	simm.s32 $0x6400;
	[sflag:s29] =	ssyncadd.s32 $0xFFFF9C00  }
0x2a: {  	[tilespmem:s24], [sflag:$0x1] =	stream.indirect.gather [hbm4b:s2+s17], $0x80, s3, s17, $0xb8;
	[tilespmem:$0x10400] =	vst v63  }
0x2b: {  	s30 =	simm.s32 $0x80;
	s0 =	simm.s32 $0x7400  }
0x2c: {  	[tilespmem:s0], [sflag:$0x2] =	stream.indirect.gather [hbm4b:s2+s17], $0x80, s30, s17, $0xb8;
	[tilespmem:$0x10400] =	vst v63  }
0x2d: {  	s31 =	simm.s32 $0x100;
	s21 =	simm.s32 $0x8400  }
0x2e: {  	[tilespmem:s21], [sflag:$0x3] =	stream.indirect.gather [hbm4b:s2+s17], $0x80, s31, s17, $0xb8;
	[tilespmem:$0x10400] =	vst v63  }
0x2f: {  	s1 =	simm.s32 $0x180;
	s25 =	simm.s32 $0x9400  }
0x30: {  	[tilespmem:s25], [sflag:$0x4] =	stream.indirect.gather [hbm4b:s2+s17], $0x80, s1, s17, $0xb8;
	[tilespmem:$0x10400] =	vst v63  }
0x31: {  	s19 =	simm.s32 $0x200;
	s26 =	simm.s32 $0xA400  }
0x32: {  	[tilespmem:s26], [sflag:$0x5] =	stream.indirect.gather [hbm4b:s2+s17], $0x80, s19, s17, $0xb8;
	[tilespmem:$0x10400] =	vst v63  }
0x33: {  	s23 =	simm.s32 $0x280;
	s28 =	simm.s32 $0xB400  }
0x34: {  	[tilespmem:s28], [sflag:$0x6] =	stream.indirect.gather [hbm4b:s2+s17], $0x80, s23, s17, $0xb8;
	[tilespmem:$0x10400] =	vst v63  }
0x35: {  	s29 =	simm.s32 $0x300;
	s1 =	simm.s32 $0xC400  }
0x36: {  	[tilespmem:s1], [sflag:$0x7] =	stream.indirect.gather [hbm4b:s2+s17], $0x80, s29, s17, $0xb8;
	[tilespmem:$0x10400] =	vst v63  }
0x37: {  	s30 =	simm.s32 $0x380;
	s29 =	simm.s32 $0xD400  }
0x38: {  	[tilespmem:s29], [sflag:$0x8] =	stream.indirect.gather [hbm4b:s2+s17], $0x80, s30, s17, $0xb8;
	[tilespmem:$0x10400] =	vst v63  }
0x39: {  	s19 =	simm.s32 $0x400;
	s30 =	simm.s32 $0xE400  }
0x3a: {  	[tilespmem:s30], [sflag:$0x9] =	stream.indirect.gather [hbm4b:s2+s17], $0x80, s19, s17, $0xb8;
	[tilespmem:$0x10400] =	vst v63  }
0x3b: {  	s22 =	simm.s32 $0x1;
	s31 =	simm.s32 $0x480;
	s23 =	simm.s32 $0xF400  }
0x3c: {  	[tilespmem:s23], [sflag:$0xA] =	stream.indirect.gather [hbm4b:s2+s17], $0x80, s31, s17, $0xb8;
	[tilespmem:$0x10400] =	vst v63  }
0x3d: {  	_ =	swait.ge [sflag:s22], $0x1000  }
0x3e: {  	s31 =	rddreg [dreg:$0xd];
	[sflag:s22] =	ssyncset.done $0x0  }
0x3f: {  	[sflag:s22] =	ssyncadd.s32 $0xFFFFF000;
	s22 =	sadd.s32 $0x0, s31  }
0x40: {  	[hbm4b:s22+s3] =	stream.linear.scatter [tilespmem:s24], [sflag:$0xB], $0x1000, $0x38;
	[tilespmem:$0x10400] =	vst v63  }
0x41: {  	s22 =	simm.s32 $0x2  }
0x42: {  	_ =	swait.ge [sflag:s22], $0x1000  }
0x43: {  	s31 =	rddreg [dreg:$0xc];
	[sflag:s22] =	ssyncset.done $0x0  }
0x44: {  	[sflag:s22] =	ssyncadd.s32 $0xFFFFF000;
	s22 =	sadd.s32 $0x0, s31  }
0x45: {  	[hbm4b:s22+s3] =	stream.linear.scatter [tilespmem:s0], [sflag:$0xC], $0x1000, $0x38;
	[tilespmem:$0x10400] =	vst v63  }
0x46: {  	s22 =	simm.s32 $0x3  }
0x47: {  	_ =	swait.ge [sflag:s22], $0x1000  }
0x48: {  	s31 =	rddreg [dreg:$0xb];
	[sflag:s22] =	ssyncset.done $0x0  }
0x49: {  	[sflag:s22] =	ssyncadd.s32 $0xFFFFF000;
	s22 =	sadd.s32 $0x0, s31  }
0x4a: {  	[hbm4b:s22+s3] =	stream.linear.scatter [tilespmem:s21], [sflag:$0xD], $0x1000, $0x38;
	[tilespmem:$0x10400] =	vst v63  }
0x4b: {  	s22 =	simm.s32 $0x4  }
0x4c: {  	_ =	swait.ge [sflag:s22], $0x1000  }
0x4d: {  	s31 =	rddreg [dreg:$0xa];
	[sflag:s22] =	ssyncset.done $0x0  }
0x4e: {  	[sflag:s22] =	ssyncadd.s32 $0xFFFFF000;
	s22 =	sadd.s32 $0x0, s31  }
0x4f: {  	[hbm4b:s22+s3] =	stream.linear.scatter [tilespmem:s25], [sflag:$0xE], $0x1000, $0x38;
	[tilespmem:$0x10400] =	vst v63  }
0x50: {  	s22 =	simm.s32 $0x5  }
0x51: {  	_ =	swait.ge [sflag:s22], $0x1000  }
0x52: {  	s31 =	rddreg [dreg:$0x9];
	[sflag:s22] =	ssyncset.done $0x0  }
0x53: {  	[sflag:s22] =	ssyncadd.s32 $0xFFFFF000;
	s22 =	sadd.s32 $0x0, s31  }
0x54: {  	[hbm4b:s22+s3] =	stream.linear.scatter [tilespmem:s26], [sflag:$0xF], $0x1000, $0x38;
	[tilespmem:$0x10400] =	vst v63  }
0x55: {  	_ =	swait.ge [sflag:s4], $0x1000  }
0x56: {  	s19 =	rddreg [dreg:$0x8];
	[sflag:s4] =	ssyncset.done $0x0  }
0x57: {  	[sflag:s4] =	ssyncadd.s32 $0xFFFFF000;
	s22 =	sadd.s32 $0x0, s19  }
0x58: {  	[hbm4b:s22+s3] =	stream.linear.scatter [tilespmem:s28], [sflag:$0x10], $0x1000, $0x38;
	[tilespmem:$0x10400] =	vst v63  }
0x59: {  	_ =	swait.ge [sflag:s5], $0x1000  }
0x5a: {  	s31 =	rddreg [dreg:$0x7];
	[sflag:s5] =	ssyncset.done $0x0  }
0x5b: {  	[sflag:s5] =	ssyncadd.s32 $0xFFFFF000;
	s22 =	sadd.s32 $0x0, s31  }
0x5c: {  	[hbm4b:s22+s3] =	stream.linear.scatter [tilespmem:s1], [sflag:$0x11], $0x1000, $0x38;
	[tilespmem:$0x10400] =	vst v63  }
0x5d: {  	_ =	swait.ge [sflag:s6], $0x1000  }
0x5e: {  	s19 =	rddreg [dreg:$0x6];
	[sflag:s6] =	ssyncset.done $0x0  }
0x5f: {  	[sflag:s6] =	ssyncadd.s32 $0xFFFFF000;
	s22 =	sadd.s32 $0x0, s19  }
0x60: {  	[hbm4b:s22+s3] =	stream.linear.scatter [tilespmem:s29], [sflag:$0x12], $0x1000, $0x38;
	[tilespmem:$0x10400] =	vst v63  }
0x61: {  	_ =	swait.ge [sflag:s7], $0x1000  }
0x62: {  	s31 =	rddreg [dreg:$0x5];
	[sflag:s7] =	ssyncset.done $0x0  }
0x63: {  	[sflag:s7] =	ssyncadd.s32 $0xFFFFF000;
	s22 =	sadd.s32 $0x0, s31  }
0x64: {  	[hbm4b:s22+s3] =	stream.linear.scatter [tilespmem:s30], [sflag:$0x13], $0x1000, $0x38;
	[tilespmem:$0x10400] =	vst v63  }
0x65: {  	_ =	swait.ge [sflag:s8], $0x1000  }
0x66: {  	s19 =	rddreg [dreg:$0x4];
	[sflag:s8] =	ssyncset.done $0x0  }
0x67: {  	[sflag:s8] =	ssyncadd.s32 $0xFFFFF000;
	s22 =	sadd.s32 $0x0, s19  }
0x68: {  	[hbm4b:s22+s3] =	stream.linear.scatter [tilespmem:s23], [sflag:$0x14], $0x1000, $0x38;
	[tilespmem:$0x10400] =	vst v63  }
0x69: {  	_ =	swait.ge [sflag:s9], $0x1000  }
0x6a: {  	[sflag:s9] =	ssyncset.done $0x0  }
0x6b: {  	s23 =	simm.s32 $0x500;
	[sflag:s9] =	ssyncadd.s32 $0xFFFFF000  }
0x6c: {  	[tilespmem:s24], [sflag:$0x1] =	stream.indirect.gather [hbm4b:s2+s17], $0x80, s23, s17, $0xb8;
	[tilespmem:$0x10400] =	vst v63  }
0x6d: {  	_ =	swait.ge [sflag:s10], $0x1000  }
0x6e: {  	[sflag:s10] =	ssyncset.done $0x0  }
0x6f: {  	s31 =	simm.s32 $0x580;
	[sflag:s10] =	ssyncadd.s32 $0xFFFFF000  }
0x70: {  	[tilespmem:s0], [sflag:$0x2] =	stream.indirect.gather [hbm4b:s2+s17], $0x80, s31, s17, $0xb8;
	[tilespmem:$0x10400] =	vst v63  }
0x71: {  	_ =	swait.ge [sflag:s11], $0x1000  }
0x72: {  	[sflag:s11] =	ssyncset.done $0x0  }
0x73: {  	s19 =	simm.s32 $0x600;
	[sflag:s11] =	ssyncadd.s32 $0xFFFFF000  }
0x74: {  	[tilespmem:s21], [sflag:$0x3] =	stream.indirect.gather [hbm4b:s2+s17], $0x80, s19, s17, $0xb8;
	[tilespmem:$0x10400] =	vst v63  }
0x75: {  	_ =	swait.ge [sflag:s12], $0x1000  }
0x76: {  	[sflag:s12] =	ssyncset.done $0x0  }
0x77: {  	s23 =	simm.s32 $0x680;
	[sflag:s12] =	ssyncadd.s32 $0xFFFFF000  }
0x78: {  	[tilespmem:s25], [sflag:$0x4] =	stream.indirect.gather [hbm4b:s2+s17], $0x80, s23, s17, $0xb8;
	[tilespmem:$0x10400] =	vst v63  }
0x79: {  	_ =	swait.ge [sflag:s13], $0x1000  }
0x7a: {  	[sflag:s13] =	ssyncset.done $0x0  }
0x7b: {  	s24 =	simm.s32 $0x700;
	[sflag:s13] =	ssyncadd.s32 $0xFFFFF000  }
0x7c: {  	[tilespmem:s26], [sflag:$0x5] =	stream.indirect.gather [hbm4b:s2+s17], $0x80, s24, s17, $0xb8;
	[tilespmem:$0x10400] =	vst v63  }
0x7d: {  	_ =	swait.ge [sflag:s14], $0x1000  }
0x7e: {  	[sflag:s14] =	ssyncset.done $0x0  }
0x7f: {  	s25 =	simm.s32 $0x780;
	[sflag:s14] =	ssyncadd.s32 $0xFFFFF000  }
0x80: {  	[tilespmem:s28], [sflag:$0x6] =	stream.indirect.gather [hbm4b:s2+s17], $0x80, s25, s17, $0xb8;
	[tilespmem:$0x10400] =	vst v63  }
0x81: {  	_ =	swait.ge [sflag:s15], $0x1000  }
0x82: {  	[sflag:s15] =	ssyncset.done $0x0  }
0x83: {  	s26 =	simm.s32 $0x800;
	[sflag:s15] =	ssyncadd.s32 $0xFFFFF000  }
0x84: {  	[tilespmem:s1], [sflag:$0x7] =	stream.indirect.gather [hbm4b:s2+s17], $0x80, s26, s17, $0xb8;
	[tilespmem:$0x10400] =	vst v63  }
0x85: {  	_ =	swait.ge [sflag:s16], $0x1000  }
0x86: {  	[sflag:s16] =	ssyncset.done $0x0  }
0x87: {  	s28 =	simm.s32 $0x880;
	[sflag:s16] =	ssyncadd.s32 $0xFFFFF000  }
0x88: {  	[tilespmem:s29], [sflag:$0x8] =	stream.indirect.gather [hbm4b:s2+s17], $0x80, s28, s17, $0xb8;
	[tilespmem:$0x10400] =	vst v63  }
0x89: {  	_ =	swait.ge [sflag:s18], $0x1000  }
0x8a: {  	[sflag:s18] =	ssyncset.done $0x0  }
0x8b: {  	s31 =	simm.s32 $0x900;
	[sflag:s18] =	ssyncadd.s32 $0xFFFFF000  }
0x8c: {  	[tilespmem:s30], [sflag:$0x9] =	stream.indirect.gather [hbm4b:s2+s17], $0x80, s31, s17, $0xb8;
	[tilespmem:$0x10400] =	vst v63  }
0x8d: {  	_ =	swait.ge [sflag:s20], $0x1000  }
0x8e: {  	[sflag:s20] =	ssyncset.done $0x0  }
0x8f: {  	s22 =	simm.s32 $0x1400;
	s24 =	simm.s32 $0x980;
	[sflag:s20] =	ssyncadd.s32 $0xFFFFF000  }
.LBB2_2:
0x90: {  	s31 =	simm.s32 $0xF400;
	s0 =	simm.s32 $0x1  }
0x91: {  	[tilespmem:s31], [sflag:$0xA] =	stream.indirect.gather [hbm4b:s2+s17], $0x80, s24, s17, $0xb8;
	[tilespmem:$0x10400] =	vst v63  }
0x92: {  	s29 =	simm.s32 $0x6400;
	_ =	swait.ge [sflag:s0], $0x1000  }
0x93: {  	s24 =	smov.u32 s22;
	s26 =	rddreg [dreg:$0xd];
	[sflag:s0] =	ssyncset.done $0x0  }
0x94: {  	s1 =	simm.s32 $0x2;
	[sflag:s0] =	ssyncadd.s32 $0xFFFFF000;
	s26 =	sadd.s32 s24, s26  }
0x95: {  	[hbm4b:s26+s3] =	stream.linear.scatter [tilespmem:s29], [sflag:$0xB], $0x1000, $0x38;
	[tilespmem:$0x10400] =	vst v63  }
0x96: {  	_ =	swait.ge [sflag:s1], $0x1000  }
0x97: {  	s0 =	simm.s32 $0x7400;
	s19 =	rddreg [dreg:$0xc];
	[sflag:s1] =	ssyncset.done $0x0  }
0x98: {  	[sflag:s1] =	ssyncadd.s32 $0xFFFFF000;
	s26 =	sadd.s32 s24, s19;
	s1 =	simm.s32 $0x3  }
0x99: {  	[hbm4b:s26+s3] =	stream.linear.scatter [tilespmem:s0], [sflag:$0xC], $0x1000, $0x38;
	[tilespmem:$0x10400] =	vst v63  }
0x9a: {  	_ =	swait.ge [sflag:s1], $0x1000  }
0x9b: {  	s23 =	simm.s32 $0x4;
	s21 =	rddreg [dreg:$0xb];
	[sflag:s1] =	ssyncset.done $0x0  }
0x9c: {  	[sflag:s1] =	ssyncadd.s32 $0xFFFFF000;
	s26 =	sadd.s32 s24, s21;
	s21 =	simm.s32 $0x8400  }
0x9d: {  	[hbm4b:s26+s3] =	stream.linear.scatter [tilespmem:s21], [sflag:$0xD], $0x1000, $0x38;
	[tilespmem:$0x10400] =	vst v63  }
0x9e: {  	_ =	swait.ge [sflag:s23], $0x1000  }
0x9f: {  	s25 =	rddreg [dreg:$0xa];
	[sflag:s23] =	ssyncset.done $0x0  }
0xa0: {  	[sflag:s23] =	ssyncadd.s32 $0xFFFFF000;
	s26 =	sadd.s32 s24, s25;
	s25 =	simm.s32 $0x9400  }
0xa1: {  	[hbm4b:s26+s3] =	stream.linear.scatter [tilespmem:s25], [sflag:$0xE], $0x1000, $0x38;
	[tilespmem:$0x10400] =	vst v63  }
0xa2: {  	s26 =	simm.s32 $0x5  }
0xa3: {  	_ =	swait.ge [sflag:s26], $0x1000  }
0xa4: {  	s19 =	rddreg [dreg:$0x9];
	[sflag:s26] =	ssyncset.done $0x0  }
0xa5: {  	s28 =	simm.s32 $0xA400;
	[sflag:s26] =	ssyncadd.s32 $0xFFFFF000;
	s26 =	sadd.s32 s24, s19  }
0xa6: {  	[hbm4b:s26+s3] =	stream.linear.scatter [tilespmem:s28], [sflag:$0xF], $0x1000, $0x38;
	[tilespmem:$0x10400] =	vst v63  }
0xa7: {  	_ =	swait.ge [sflag:s4], $0x1000  }
0xa8: {  	s23 =	rddreg [dreg:$0x8];
	[sflag:s4] =	ssyncset.done $0x0  }
0xa9: {  	s30 =	simm.s32 $0xB400;
	[sflag:s4] =	ssyncadd.s32 $0xFFFFF000;
	s26 =	sadd.s32 s24, s23  }
0xaa: {  	[hbm4b:s26+s3] =	stream.linear.scatter [tilespmem:s30], [sflag:$0x10], $0x1000, $0x38;
	[tilespmem:$0x10400] =	vst v63  }
0xab: {  	_ =	swait.ge [sflag:s5], $0x1000  }
0xac: {  	s1 =	rddreg [dreg:$0x7];
	[sflag:s5] =	ssyncset.done $0x0  }
0xad: {  	[sflag:s5] =	ssyncadd.s32 $0xFFFFF000;
	s26 =	sadd.s32 s24, s1;
	s1 =	simm.s32 $0xC400  }
0xae: {  	[hbm4b:s26+s3] =	stream.linear.scatter [tilespmem:s1], [sflag:$0x11], $0x1000, $0x38;
	[tilespmem:$0x10400] =	vst v63  }
0xaf: {  	_ =	swait.ge [sflag:s6], $0x1000  }
0xb0: {  	s19 =	rddreg [dreg:$0x6];
	[sflag:s6] =	ssyncset.done $0x0  }
0xb1: {  	[sflag:s6] =	ssyncadd.s32 $0xFFFFF000;
	s26 =	sadd.s32 s24, s19;
	s19 =	simm.s32 $0xD400  }
0xb2: {  	[hbm4b:s26+s3] =	stream.linear.scatter [tilespmem:s19], [sflag:$0x12], $0x1000, $0x38;
	[tilespmem:$0x10400] =	vst v63  }
0xb3: {  	_ =	swait.ge [sflag:s7], $0x1000  }
0xb4: {  	s23 =	rddreg [dreg:$0x5];
	[sflag:s7] =	ssyncset.done $0x0  }
0xb5: {  	[sflag:s7] =	ssyncadd.s32 $0xFFFFF000;
	s26 =	sadd.s32 s24, s23;
	s23 =	simm.s32 $0xE400  }
0xb6: {  	[hbm4b:s26+s3] =	stream.linear.scatter [tilespmem:s23], [sflag:$0x13], $0x1000, $0x38;
	[tilespmem:$0x10400] =	vst v63  }
0xb7: {  	_ =	swait.ge [sflag:s8], $0x1000  }
0xb8: {  	s26 =	rddreg [dreg:$0x4];
	[sflag:s8] =	ssyncset.done $0x0  }
0xb9: {  	[sflag:s8] =	ssyncadd.s32 $0xFFFFF000;
	s26 =	sadd.s32 s24, s26  }
0xba: {  	[hbm4b:s26+s3] =	stream.linear.scatter [tilespmem:s31], [sflag:$0x14], $0x1000, $0x38;
	[tilespmem:$0x10400] =	vst v63  }
0xbb: {  	_ =	swait.ge [sflag:s9], $0x1000  }
0xbc: {  	s24 =	sshra.s32 s24, $0x2;
	[sflag:s9] =	ssyncset.done $0x0  }
0xbd: {  	s26 =	sadd.s32 $0x500, s24;
	[sflag:s9] =	ssyncadd.s32 $0xFFFFF000  }
0xbe: {  	[tilespmem:s29], [sflag:$0x1] =	stream.indirect.gather [hbm4b:s2+s17], $0x80, s26, s17, $0xb8;
	[tilespmem:$0x10400] =	vst v63  }
0xbf: {  	_ =	swait.ge [sflag:s10], $0x1000  }
0xc0: {  	[sflag:s10] =	ssyncset.done $0x0  }
0xc1: {  	s26 =	sadd.s32 $0x580, s24;
	[sflag:s10] =	ssyncadd.s32 $0xFFFFF000  }
0xc2: {  	[tilespmem:s0], [sflag:$0x2] =	stream.indirect.gather [hbm4b:s2+s17], $0x80, s26, s17, $0xb8;
	[tilespmem:$0x10400] =	vst v63  }
0xc3: {  	_ =	swait.ge [sflag:s11], $0x1000  }
0xc4: {  	[sflag:s11] =	ssyncset.done $0x0  }
0xc5: {  	s26 =	sadd.s32 $0x600, s24;
	[sflag:s11] =	ssyncadd.s32 $0xFFFFF000  }
0xc6: {  	[tilespmem:s21], [sflag:$0x3] =	stream.indirect.gather [hbm4b:s2+s17], $0x80, s26, s17, $0xb8;
	[tilespmem:$0x10400] =	vst v63  }
0xc7: {  	_ =	swait.ge [sflag:s12], $0x1000  }
0xc8: {  	[sflag:s12] =	ssyncset.done $0x0  }
0xc9: {  	s26 =	sadd.s32 $0x680, s24;
	[sflag:s12] =	ssyncadd.s32 $0xFFFFF000  }
0xca: {  	[tilespmem:s25], [sflag:$0x4] =	stream.indirect.gather [hbm4b:s2+s17], $0x80, s26, s17, $0xb8;
	[tilespmem:$0x10400] =	vst v63  }
0xcb: {  	_ =	swait.ge [sflag:s13], $0x1000  }
0xcc: {  	[sflag:s13] =	ssyncset.done $0x0  }
0xcd: {  	s26 =	sadd.s32 $0x700, s24;
	[sflag:s13] =	ssyncadd.s32 $0xFFFFF000  }
0xce: {  	[tilespmem:s28], [sflag:$0x5] =	stream.indirect.gather [hbm4b:s2+s17], $0x80, s26, s17, $0xb8;
	[tilespmem:$0x10400] =	vst v63  }
0xcf: {  	_ =	swait.ge [sflag:s14], $0x1000  }
0xd0: {  	[sflag:s14] =	ssyncset.done $0x0  }
0xd1: {  	s26 =	sadd.s32 $0x780, s24;
	[sflag:s14] =	ssyncadd.s32 $0xFFFFF000  }
0xd2: {  	[tilespmem:s30], [sflag:$0x6] =	stream.indirect.gather [hbm4b:s2+s17], $0x80, s26, s17, $0xb8;
	[tilespmem:$0x10400] =	vst v63  }
0xd3: {  	_ =	swait.ge [sflag:s15], $0x1000  }
0xd4: {  	[sflag:s15] =	ssyncset.done $0x0  }
0xd5: {  	s26 =	sadd.s32 $0x800, s24;
	[sflag:s15] =	ssyncadd.s32 $0xFFFFF000  }
0xd6: {  	[tilespmem:s1], [sflag:$0x7] =	stream.indirect.gather [hbm4b:s2+s17], $0x80, s26, s17, $0xb8;
	[tilespmem:$0x10400] =	vst v63  }
0xd7: {  	_ =	swait.ge [sflag:s16], $0x1000  }
0xd8: {  	p0 =	sne.s32 s22, $0x16800;
	[sflag:s16] =	ssyncset.done $0x0  }
0xd9: {  	s22 =	sadd.s32 $0x1400, s22;
	s26 =	sadd.s32 $0x880, s24;
	[sflag:s16] =	ssyncadd.s32 $0xFFFFF000  }
0xda: {  	[tilespmem:s19], [sflag:$0x8] =	stream.indirect.gather [hbm4b:s2+s17], $0x80, s26, s17, $0xb8;
	[tilespmem:$0x10400] =	vst v63  }
0xdb: {  	s31 =	simm.s32 $0x6400;
	s29 =	simm.s32 $0x7400;
	_ =	swait.ge [sflag:s18], $0x1000  }
0xdc: {  	s0 =	simm.s32 $0x8400;
	s21 =	simm.s32 $0x9400;
	[sflag:s18] =	ssyncset.done $0x0  }
.Ltmp0:
0xdd: {  	s26 =	sadd.s32 $0x900, s24;
	[sflag:s18] =	ssyncadd.s32 $0xFFFFF000;
	(pc) =	sbr.rel @p0 .LBB2_2-.Ltmp0, $4  }
0xde: {  	[tilespmem:s23], [sflag:$0x9] =	stream.indirect.gather [hbm4b:s2+s17], $0x80, s26, s17, $0xb8;
	[tilespmem:$0x10400] =	vst v63  }
0xdf: {  	s25 =	simm.s32 $0xA400;
	s28 =	simm.s32 $0xB400;
	_ =	swait.ge [sflag:s20], $0x1000  }
0xe0: {  	s30 =	simm.s32 $0xC400;
	s1 =	simm.s32 $0xD400;
	[sflag:s20] =	ssyncset.done $0x0  }
0xe1: {  	s19 =	simm.s32 $0xE400;
	s24 =	sadd.s32 $0x980, s24;
	[sflag:s20] =	ssyncadd.s32 $0xFFFFF000  }
0xe2: {  	s23 =	simm.s32 $0xF400;
	s22 =	simm.s32 $0x1  }
0xe3: {  	[tilespmem:s23], [sflag:$0xA] =	stream.indirect.gather [hbm4b:s2+s17], $0x80, s24, s17, $0xb8;
	[tilespmem:$0x10400] =	vst v63  }
0xe4: {  	_ =	swait.ge [sflag:s22], $0x1000  }
0xe5: {  	[sflag:s22] =	ssyncset.done $0x0  }
0xe6: {  	s24 =	simm.s32 $0x2;
	s26 =	rddreg [dreg:$0xf];
	[sflag:s22] =	ssyncadd.s32 $0xFFFFF000  }
0xe7: {  	[hbm4b:s26+s3] =	stream.linear.scatter [tilespmem:s31], [sflag:$0xB], $0x1000, $0x38;
	[tilespmem:$0x10400] =	vst v63  }
0xe8: {  	_ =	swait.ge [sflag:s24], $0x1000  }
0xe9: {  	[sflag:s24] =	ssyncset.done $0x0  }
0xea: {  	s31 =	simm.s32 $0x3;
	s26 =	rddreg [dreg:$0x10];
	[sflag:s24] =	ssyncadd.s32 $0xFFFFF000  }
0xeb: {  	[hbm4b:s26+s3] =	stream.linear.scatter [tilespmem:s29], [sflag:$0xC], $0x1000, $0x38;
	[tilespmem:$0x10400] =	vst v63  }
0xec: {  	_ =	swait.ge [sflag:s31], $0x1000  }
0xed: {  	[sflag:s31] =	ssyncset.done $0x0  }
0xee: {  	s26 =	simm.s32 $0x4;
	s24 =	rddreg [dreg:$0x11];
	[sflag:s31] =	ssyncadd.s32 $0xFFFFF000  }
0xef: {  	[hbm4b:s24+s3] =	stream.linear.scatter [tilespmem:s0], [sflag:$0xD], $0x1000, $0x38;
	[tilespmem:$0x10400] =	vst v63  }
0xf0: {  	_ =	swait.ge [sflag:s26], $0x1000  }
0xf1: {  	[sflag:s26] =	ssyncset.done $0x0  }
0xf2: {  	s31 =	simm.s32 $0x5;
	s29 =	rddreg [dreg:$0x12];
	[sflag:s26] =	ssyncadd.s32 $0xFFFFF000  }
0xf3: {  	[hbm4b:s29+s3] =	stream.linear.scatter [tilespmem:s21], [sflag:$0xE], $0x1000, $0x38;
	[tilespmem:$0x10400] =	vst v63  }
0xf4: {  	_ =	swait.ge [sflag:s31], $0x1000  }
0xf5: {  	[sflag:s31] =	ssyncset.done $0x0  }
0xf6: {  	s21 =	rddreg [dreg:$0x13];
	[sflag:s31] =	ssyncadd.s32 $0xFFFFF000  }
0xf7: {  	[hbm4b:s21+s3] =	stream.linear.scatter [tilespmem:s25], [sflag:$0xF], $0x1000, $0x38;
	[tilespmem:$0x10400] =	vst v63  }
0xf8: {  	_ =	swait.ge [sflag:s4], $0x1000  }
0xf9: {  	[sflag:s4] =	ssyncset.done $0x0  }
0xfa: {  	s24 =	rddreg [dreg:$0x14];
	[sflag:s4] =	ssyncadd.s32 $0xFFFFF000  }
0xfb: {  	[hbm4b:s24+s3] =	stream.linear.scatter [tilespmem:s28], [sflag:$0x10], $0x1000, $0x38;
	[tilespmem:$0x10400] =	vst v63  }
0xfc: {  	_ =	swait.ge [sflag:s5], $0x1000  }
0xfd: {  	[sflag:s5] =	ssyncset.done $0x0  }
0xfe: {  	s25 =	rddreg [dreg:$0x15];
	[sflag:s5] =	ssyncadd.s32 $0xFFFFF000  }
0xff: {  	[hbm4b:s25+s3] =	stream.linear.scatter [tilespmem:s30], [sflag:$0x11], $0x1000, $0x38;
	[tilespmem:$0x10400] =	vst v63  }
0x100: {  	_ =	swait.ge [sflag:s6], $0x1000  }
0x101: {  	[sflag:s6] =	ssyncset.done $0x0  }
0x102: {  	s26 =	rddreg [dreg:$0x16];
	[sflag:s6] =	ssyncadd.s32 $0xFFFFF000  }
0x103: {  	[hbm4b:s26+s3] =	stream.linear.scatter [tilespmem:s1], [sflag:$0x12], $0x1000, $0x38;
	[tilespmem:$0x10400] =	vst v63  }
0x104: {  	_ =	swait.ge [sflag:s7], $0x1000  }
0x105: {  	[sflag:s7] =	ssyncset.done $0x0  }
0x106: {  	s28 =	rddreg [dreg:$0x17];
	[sflag:s7] =	ssyncadd.s32 $0xFFFFF000  }
0x107: {  	[hbm4b:s28+s3] =	stream.linear.scatter [tilespmem:s19], [sflag:$0x13], $0x1000, $0x38;
	[tilespmem:$0x10400] =	vst v63  }
0x108: {  	_ =	swait.ge [sflag:s8], $0x1000  }
0x109: {  	[sflag:s8] =	ssyncset.done $0x0  }
0x10a: {  	s29 =	rddreg [dreg:$0x18];
	[sflag:s8] =	ssyncadd.s32 $0xFFFFF000  }
0x10b: {  	[hbm4b:s29+s3] =	stream.linear.scatter [tilespmem:s23], [sflag:$0x14], $0x1000, $0x38;
	[tilespmem:$0x10400] =	vst v63  }
0x10c: {  	_ =	swait.ge [sflag:s9], $0x1000  }
0x10d: {  	[sflag:s9] =	ssyncset.done $0x0  }
0x10e: {  	[sflag:s9] =	ssyncadd.s32 $0xFFFFF000  }
0x10f: {  	_ =	swait.ge [sflag:s10], $0x1000  }
0x110: {  	[sflag:s10] =	ssyncset.done $0x0  }
0x111: {  	[sflag:s10] =	ssyncadd.s32 $0xFFFFF000  }
0x112: {  	_ =	swait.ge [sflag:s11], $0x1000  }
0x113: {  	[sflag:s11] =	ssyncset.done $0x0  }
0x114: {  	[sflag:s11] =	ssyncadd.s32 $0xFFFFF000  }
0x115: {  	_ =	swait.ge [sflag:s12], $0x1000  }
0x116: {  	[sflag:s12] =	ssyncset.done $0x0  }
0x117: {  	[sflag:s12] =	ssyncadd.s32 $0xFFFFF000  }
0x118: {  	_ =	swait.ge [sflag:s13], $0x1000  }
0x119: {  	[sflag:s13] =	ssyncset.done $0x0  }
0x11a: {  	[sflag:s13] =	ssyncadd.s32 $0xFFFFF000  }
0x11b: {  	_ =	swait.ge [sflag:s14], $0x1000  }
0x11c: {  	[sflag:s14] =	ssyncset.done $0x0  }
0x11d: {  	[sflag:s14] =	ssyncadd.s32 $0xFFFFF000  }
0x11e: {  	_ =	swait.ge [sflag:s15], $0x1000  }
0x11f: {  	[sflag:s15] =	ssyncset.done $0x0  }
0x120: {  	[sflag:s15] =	ssyncadd.s32 $0xFFFFF000  }
0x121: {  	_ =	swait.ge [sflag:s16], $0x1000  }
0x122: {  	[sflag:s16] =	ssyncset.done $0x0  }
0x123: {  	[sflag:s16] =	ssyncadd.s32 $0xFFFFF000  }
0x124: {  	_ =	swait.ge [sflag:s18], $0x1000  }
0x125: {  	[sflag:s18] =	ssyncset.done $0x0  }
0x126: {  	[sflag:s18] =	ssyncadd.s32 $0xFFFFF000  }
0x127: {  	_ =	swait.ge [sflag:s20], $0x1000  }
0x128: {  	s30 =	rddreg [dreg:$0x1a]  }
0x129: {  	s31 =	rddreg [dreg:$0x19];
	s0 =	sadd.s32 $0x1, s30  }
0x12a: {  	p0 =	sne.s32 s0, s31  }
.Ltmp1:
0x12b: {  	_ = 	snop;
	(pc) =	sbr.rel @p0 .LBB2_1-.Ltmp1, $3  }
0x12c: {  	_ =	sdelay $0x1  }
0x12d: {  	[sflag:s20] =	ssyncset.done $0x0  }
0x12e: {  	[sflag:s20] =	ssyncadd.s32 $0xFFFFF000  }
0x12f: {  	_ =	sfence.sel $0x180000  }
0x130: {  	[bflag:$0x0] =	sbarrier.arrive $0xFFFF  }
0x131: {  	_ =	strace $0x90000047  }
0x132: {  	s0 =	stileid.u32;
	[bflag:$0x2] =	sbarrier.arrive $0xFFFF  }
0x133: {  	p0 =	sne.s32 s0, $0x0;
	s0 =	rddreg [dreg:$0x3]  }
0x134: {  	s0 =	sadd.s32 @!p0 $0x100000, s0  }
0x135: {  	[sflag:s0] =	ssyncadd.tile.s32 @!p0 $0x1;
	_ =	shalt  }
.Lfunc_end2:
_tile_overlayer_lowered:
.L_overlay_start_2:
0x136: {  	(tag) =	ssettag $0x2  }
0x137: {  	s0 =	rddreg [dreg:$0x0];
	s2 =	stileid.u32  }
0x138: {  	s1 =	rddreg [dreg:$0x1];
	p0 =	sne.s32 s2, $0x0  }
0x139: {  	s3 =	rddreg [dreg:$0x2];
	[bflag:$0x3] =	sbarrier.arrive $0xFFFF;
	s2 =	simm.s32 @!p0 $0x1C15  }
0x13a: {  	[timem:s3], [sflag:s2] =	dma.local @!p0 [hbm:s0], s1  }
0x13b: {  	s0 =	simm.s32 @!p0 $0x15  }
0x13c: {  	_ =	swait.ge @!p0 [sflag:s0], s1  }
0x13d: {  	s1 =	ssub.s32 @!p0 $0x0, s1;
	[sflag:s0] =	ssyncset.done @!p0 $0x0  }
0x13e: {  	[sflag:s0] =	ssyncadd.s32 @!p0 s1  }
0x13f: {  	[bflag:$0x3] =	sbarrier.arrive $0xFFFF  }
0x140: {  	_ =	shalt  }

</sc_bundles>
